<compile_context>
chip_gen: v7x
topology: tpu7x:2x2x1
jax: 0.10.2.dev20260603
libtpu: 0.0.44.dev20260713+nightly
codegen_flags: <defaults>
</compile_context>

<pallas_src>
import jax
import jax.numpy as jnp
from jax import lax
from jax.experimental import pallas as pl
from jax.experimental.pallas import tpu as pltpu
from jax.experimental.pallas import tpu_sc as plsc

_N_FIELDS = 26
_VOCAB = 100000
_EMB = 64
_BATCH = 4096
_NC, _NS, _L = 2, 16, 16
_NW = _NC * _NS
_NTASK = _N_FIELDS * _EMB
_TPW = _NTASK // _NW
_W0 = 50048
_W1 = _VOCAB - _W0
_NG = _BATCH // _L


def _tile_body(xT_hbm, tt_hbm, outT_hbm, tvA, tvB, xf, ov0, ov1,
               tsemA, tsemB, ssem0, ssem1):
    wid = lax.axis_index("s") * _NC + lax.axis_index("c")
    base = wid * _TPW
    i_first = base // _EMB

    pltpu.sync_copy(xT_hbm.at[i_first], xf.at[pl.ds(0, _BATCH)])
    pltpu.sync_copy(xT_hbm.at[(base + _TPW - 1) // _EMB],
                    xf.at[pl.ds(_BATCH, _BATCH)])

    def stream_half(t, half):
        i = t // _EMB
        c = t % _EMB
        if half == 0:
            return pltpu.make_async_copy(
                tt_hbm.at[i, c, pl.ds(0, _W0)], tvA, tsemA)
        return pltpu.make_async_copy(
            tt_hbm.at[i, c, pl.ds(_W0, _W1)], tvB, tsemB)

    def gather_half(t, ov, half):
        xoff = (t // _EMB - i_first) * _BATCH

        def grp(g, _):
            for u in range(16):
                off = (g * 16 + u) * _L
                idx = xf[pl.ds(xoff + off, _L)]
                if half == 0:
                    m = idx < _W0
                    v = plsc.load_gather(tvA, [idx], mask=m)
                    ov[pl.ds(off, _L)] = v
                else:
                    m = idx >= _W0
                    v = plsc.load_gather(tvB, [idx - _W0], mask=m)
                    ov[pl.ds(off, _L)] = jnp.where(m, v, ov[pl.ds(off, _L)])
            return 0

        lax.fori_loop(0, _NG // 16, grp, 0)

    def do_task(t, ov, ssem, nxt, nxt_guard):
        def refill(half):
            if nxt_guard is None:
                stream_half(nxt, half).start()
            else:
                @pl.when(nxt_guard)
                def _():
                    stream_half(nxt, half).start()

        stream_half(t, 0).wait()
        gather_half(t, ov, 0)
        refill(0)
        stream_half(t, 1).wait()
        gather_half(t, ov, 1)
        refill(1)
        pltpu.make_async_copy(ov, outT_hbm.at[t], ssem).start()

    stream_half(base, 0).start()
    stream_half(base, 1).start()

    def body(j, _):
        t0 = base + 2 * j

        @pl.when(j >= 1)
        def _():
            pltpu.make_async_copy(ov0, outT_hbm.at[t0], ssem0).wait()
        do_task(t0, ov0, ssem0, t0 + 1, None)

        @pl.when(j >= 1)
        def _():
            pltpu.make_async_copy(ov1, outT_hbm.at[t0], ssem1).wait()
        do_task(t0 + 1, ov1, ssem1, t0 + 2, j <= _TPW // 2 - 2)
        return 0

    lax.fori_loop(0, _TPW // 2, body, 0)
    pltpu.make_async_copy(ov0, outT_hbm.at[base], ssem0).wait()
    pltpu.make_async_copy(ov1, outT_hbm.at[base], ssem1).wait()


def kernel(x, tables):
    xT = jnp.transpose(x)
    tt = jnp.transpose(tables, (0, 2, 1))
    mesh = plsc.VectorSubcoreMesh(core_axis_name="c", subcore_axis_name="s")
    outT = pl.kernel(
        _tile_body,
        out_type=jax.ShapeDtypeStruct((_NTASK, _BATCH), jnp.float32),
        mesh=mesh,
        compiler_params=pltpu.CompilerParams(needs_layout_passes=False),
        scratch_types=[
            pltpu.VMEM((_W0,), jnp.float32),
            pltpu.VMEM((_W1,), jnp.float32),
            pltpu.VMEM((2 * _BATCH,), jnp.int32),
            pltpu.VMEM((_BATCH,), jnp.float32),
            pltpu.VMEM((_BATCH,), jnp.float32),
            pltpu.SemaphoreType.DMA,
            pltpu.SemaphoreType.DMA,
            pltpu.SemaphoreType.DMA,
            pltpu.SemaphoreType.DMA,
        ],
    )(xT, tt)
    return jnp.transpose(outT)

# --- scband reference (transcript-rebuilt; emitter-appended) ---
"""Pipeline reference for scband-embedding-net-11261404250402 (READ-ONLY COPY).

The authoritative reference and input builder live on the scoring server;
editing this copy changes nothing except your own understanding.
"""

import jax, jax.numpy as jnp
import numpy as np

N_FIELDS = 26
VOCAB = 100000
EMB_DIM = 64
BATCH = 4096

def setup_inputs(seed: int = 0) -> dict:
    key = jax.random.key(seed)
    k1, k2 = jax.random.split(key)
    x = jax.random.randint(k1, (BATCH, N_FIELDS), 0, VOCAB, dtype=jnp.int32)
    # One embedding table per sparse field, stacked: [n_fields, vocab, emb_dim]
    tables = jax.random.normal(k2, (N_FIELDS, VOCAB, EMB_DIM), dtype=jnp.float32) * 0.01
    return {"x": x, "tables": tables}

def reference(x, tables):
    # Faithful translation of EmbeddingNet.forward: per-field embedding lookup,
    # then concatenate along the feature axis.
    embs = []
    for i in range(tables.shape[0]):
        x_feat = x[:, i]
        emb = jnp.take(tables[i], x_feat, axis=0)  # gather -> SparseCore embedding lookup
        embs.append(emb)
    return jnp.concatenate(embs, axis=1)  # [batch, n_fields * emb_dim]

if __name__ == "__main__":
    import jax
    _d = setup_inputs()
    print(jax.jit(kernel)(*tuple(_d.values())))

</pallas_src>

<mosaic_0001>
#map = affine_map<(d0, d1) -> (0, 0)>
#map1 = affine_map<(d0, d1) -> (0, 0, 0)>
module attributes {stable_mosaic.version = 14 : i64} {
  func.func @_tile_body(%arg0: i32, %arg1: i32, %arg2: memref<26x4096xi32, #tpu.memory_space<hbm>>, %arg3: memref<26x64x100000xf32, #tpu.memory_space<hbm>>, %arg4: memref<1664x4096xf32, #tpu.memory_space<hbm>>, %arg5: memref<50048xf32, #tpu.memory_space<vmem>>, %arg6: memref<49952xf32, #tpu.memory_space<vmem>>, %arg7: memref<8192xi32, #tpu.memory_space<vmem>>, %arg8: memref<4096xf32, #tpu.memory_space<vmem>>, %arg9: memref<4096xf32, #tpu.memory_space<vmem>>, %arg10: memref<!tpu.dma_semaphore, #tpu.memory_space<semaphore_mem>>, %arg11: memref<!tpu.dma_semaphore, #tpu.memory_space<semaphore_mem>>, %arg12: memref<!tpu.dma_semaphore, #tpu.memory_space<semaphore_mem>>, %arg13: memref<!tpu.dma_semaphore, #tpu.memory_space<semaphore_mem>>) attributes {dimension_semantics = [#tpu.dimension_semantics<core_parallel>, #tpu.dimension_semantics<subcore_parallel>], iteration_bounds = array<i64: 2, 16>, scalar_prefetch = 0 : i64, scratch_operands = 9 : i64, tpu.core_type = #tpu.core_type<sc_vector_subcore>, window_params = [{transform_indices = #map}, {transform_indices = #map1}, {transform_indices = #map}]} {
    %mul3A = arith.constant 2 : i32
    %mul3A_0 = arith.muli %arg1, %mul3A : i32
    %add3A = arith.addi %mul3A_0, %arg0 : i32
    %mul3A_1 = arith.constant 52 : i32
    %mul3A_2 = arith.muli %add3A, %mul3A_1 : i32
    %jit3A = arith.constant 64 : i32
    %div3A = arith.divsi %mul3A_2, %jit3A : i32
    %sign3A = arith.constant 0 : i32
    %sign3A_3 = arith.cmpi sgt, %mul3A_2, %sign3A : i32
    %sign3A_4 = arith.extui %sign3A_3 : i1 to i32
    %sign3A_5 = arith.constant 0 : i32
    %sign3A_6 = arith.cmpi slt, %mul3A_2, %sign3A_5 : i32
    %sign3A_7 = arith.extui %sign3A_6 : i1 to i32
    %sign3A_8 = arith.subi %sign3A_4, %sign3A_7 : i32
    %sign3A_9 = arith.constant 0 : i32
    %sign3A_10 = arith.cmpi sgt, %jit3A, %sign3A_9 : i32
    %sign3A_11 = arith.extui %sign3A_10 : i1 to i32
    %sign3A_12 = arith.constant 0 : i32
    %sign3A_13 = arith.cmpi slt, %jit3A, %sign3A_12 : i32
    %sign3A_14 = arith.extui %sign3A_13 : i1 to i32
    %sign3A_15 = arith.subi %sign3A_11, %sign3A_14 : i32
    %ne3A = arith.cmpi ne, %sign3A_8, %sign3A_15 : i32
    %rem3A = arith.remsi %mul3A_2, %jit3A : i32
    %ne3A_16 = arith.constant 0 : i32
    %ne3A_17 = arith.cmpi ne, %rem3A, %ne3A_16 : i32
    %and3A = arith.andi %ne3A, %ne3A_17 : i1
    %sub3A = arith.constant 1 : i32
    %sub3A_18 = arith.subi %div3A, %sub3A : i32
    %select_n3A = arith.select %and3A, %sub3A_18, %div3A : i32
    "tpu.region"() ({
      %run_scoped3A = tpu.sem_alloc : memref<!tpu.dma_semaphore, #tpu.memory_space<semaphore_mem>>
      %dma_start3A_153 = arith.constant 0 : i32
      %dma_start3A_154 = tpu.memref_slice %arg7[%dma_start3A_153] : memref<8192xi32, #tpu.memory_space<vmem>> -> memref<4096xi32, #tpu.memory_space<vmem>>
      %dma_start3A_155 = arith.constant 0 : i32
      %dma_start3A_156 = tpu.memref_slice %arg2[%select_n3A, %dma_start3A_155] : memref<26x4096xi32, #tpu.memory_space<hbm>> -> memref<1x4096xi32, #tpu.memory_space<hbm>>
      %dma_start3A_157 = tpu.memref_squeeze %dma_start3A_156 : memref<1x4096xi32, #tpu.memory_space<hbm>> -> memref<4096xi32, #tpu.memory_space<hbm>>
      %dma_start3A_158 = arith.constant 0 : i32
      %dma_start3A_159 = tpu.memref_slice %arg7[%dma_start3A_158] : memref<8192xi32, #tpu.memory_space<vmem>> -> memref<4096xi32, #tpu.memory_space<vmem>>
      %dma_start3A_160 = arith.constant 0 : i32
      %dma_start3A_161 = tpu.memref_slice %arg2[%select_n3A, %dma_start3A_160] : memref<26x4096xi32, #tpu.memory_space<hbm>> -> memref<1x4096xi32, #tpu.memory_space<hbm>>
      %dma_start3A_162 = tpu.memref_squeeze %dma_start3A_161 : memref<1x4096xi32, #tpu.memory_space<hbm>> -> memref<4096xi32, #tpu.memory_space<hbm>>
      tpu.enqueue_dma source(%dma_start3A_162 : memref<4096xi32, #tpu.memory_space<hbm>>) target(%dma_start3A_159 : memref<4096xi32, #tpu.memory_space<vmem>>) target_semaphore(%run_scoped3A : memref<!tpu.dma_semaphore, #tpu.memory_space<semaphore_mem>>)
      %dma_wait3A_163 = arith.constant 0 : i32
      %dma_wait3A_164 = tpu.memref_slice %arg7[%dma_wait3A_163] : memref<8192xi32, #tpu.memory_space<vmem>> -> memref<4096xi32, #tpu.memory_space<vmem>>
      %dma_wait3A_165 = arith.constant 0 : i32
      %dma_wait3A_166 = tpu.memref_slice %arg2[%select_n3A, %dma_wait3A_165] : memref<26x4096xi32, #tpu.memory_space<hbm>> -> memref<1x4096xi32, #tpu.memory_space<hbm>>
      %dma_wait3A_167 = tpu.memref_squeeze %dma_wait3A_166 : memref<1x4096xi32, #tpu.memory_space<hbm>> -> memref<4096xi32, #tpu.memory_space<hbm>>
      %dma_wait3A_168 = arith.constant 0 : i32
      %dma_wait3A_169 = tpu.memref_slice %arg7[%dma_wait3A_168] : memref<8192xi32, #tpu.memory_space<vmem>> -> memref<4096xi32, #tpu.memory_space<vmem>>
      %dma_wait3A_170 = arith.constant 0 : i32
      %dma_wait3A_171 = tpu.memref_slice %arg2[%select_n3A, %dma_wait3A_170] : memref<26x4096xi32, #tpu.memory_space<hbm>> -> memref<1x4096xi32, #tpu.memory_space<hbm>>
      %dma_wait3A_172 = tpu.memref_squeeze %dma_wait3A_171 : memref<1x4096xi32, #tpu.memory_space<hbm>> -> memref<4096xi32, #tpu.memory_space<hbm>>
      tpu.wait_dma2 semaphore(%run_scoped3A : memref<!tpu.dma_semaphore, #tpu.memory_space<semaphore_mem>>) src(%dma_wait3A_172 : memref<4096xi32, #tpu.memory_space<hbm>>) dst(%dma_wait3A_169 : memref<4096xi32, #tpu.memory_space<vmem>>)
      tpu.yield
    }) : () -> ()
    %add3A_19 = arith.constant 52 : i32
    %add3A_20 = arith.addi %mul3A_2, %add3A_19 : i32
    %sub3A_21 = arith.constant 1 : i32
    %sub3A_22 = arith.subi %add3A_20, %sub3A_21 : i32
    %jit3A_23 = arith.constant 64 : i32
    %div3A_24 = arith.divsi %sub3A_22, %jit3A_23 : i32
    %sign3A_25 = arith.constant 0 : i32
    %sign3A_26 = arith.cmpi sgt, %sub3A_22, %sign3A_25 : i32
    %sign3A_27 = arith.extui %sign3A_26 : i1 to i32
    %sign3A_28 = arith.constant 0 : i32
    %sign3A_29 = arith.cmpi slt, %sub3A_22, %sign3A_28 : i32
    %sign3A_30 = arith.extui %sign3A_29 : i1 to i32
    %sign3A_31 = arith.subi %sign3A_27, %sign3A_30 : i32
    %sign3A_32 = arith.constant 0 : i32
    %sign3A_33 = arith.cmpi sgt, %jit3A_23, %sign3A_32 : i32
    %sign3A_34 = arith.extui %sign3A_33 : i1 to i32
    %sign3A_35 = arith.constant 0 : i32
    %sign3A_36 = arith.cmpi slt, %jit3A_23, %sign3A_35 : i32
    %sign3A_37 = arith.extui %sign3A_36 : i1 to i32
    %sign3A_38 = arith.subi %sign3A_34, %sign3A_37 : i32
    %ne3A_39 = arith.cmpi ne, %sign3A_31, %sign3A_38 : i32
    %rem3A_40 = arith.remsi %sub3A_22, %jit3A_23 : i32
    %ne3A_41 = arith.constant 0 : i32
    %ne3A_42 = arith.cmpi ne, %rem3A_40, %ne3A_41 : i32
    %and3A_43 = arith.andi %ne3A_39, %ne3A_42 : i1
    %sub3A_44 = arith.constant 1 : i32
    %sub3A_45 = arith.subi %div3A_24, %sub3A_44 : i32
    %select_n3A_46 = arith.select %and3A_43, %sub3A_45, %div3A_24 : i32
    "tpu.region"() ({
      %run_scoped3A = tpu.sem_alloc : memref<!tpu.dma_semaphore, #tpu.memory_space<semaphore_mem>>
      %dma_start3A_153 = arith.constant 4096 : i32
      %dma_start3A_154 = tpu.memref_slice %arg7[%dma_start3A_153] : memref<8192xi32, #tpu.memory_space<vmem>> -> memref<4096xi32, #tpu.memory_space<vmem>>
      %dma_start3A_155 = arith.constant 0 : i32
      %dma_start3A_156 = tpu.memref_slice %arg2[%select_n3A_46, %dma_start3A_155] : memref<26x4096xi32, #tpu.memory_space<hbm>> -> memref<1x4096xi32, #tpu.memory_space<hbm>>
      %dma_start3A_157 = tpu.memref_squeeze %dma_start3A_156 : memref<1x4096xi32, #tpu.memory_space<hbm>> -> memref<4096xi32, #tpu.memory_space<hbm>>
      %dma_start3A_158 = arith.constant 4096 : i32
      %dma_start3A_159 = tpu.memref_slice %arg7[%dma_start3A_158] : memref<8192xi32, #tpu.memory_space<vmem>> -> memref<4096xi32, #tpu.memory_space<vmem>>
      %dma_start3A_160 = arith.constant 0 : i32
      %dma_start3A_161 = tpu.memref_slice %arg2[%select_n3A_46, %dma_start3A_160] : memref<26x4096xi32, #tpu.memory_space<hbm>> -> memref<1x4096xi32, #tpu.memory_space<hbm>>
      %dma_start3A_162 = tpu.memref_squeeze %dma_start3A_161 : memref<1x4096xi32, #tpu.memory_space<hbm>> -> memref<4096xi32, #tpu.memory_space<hbm>>
      tpu.enqueue_dma source(%dma_start3A_162 : memref<4096xi32, #tpu.memory_space<hbm>>) target(%dma_start3A_159 : memref<4096xi32, #tpu.memory_space<vmem>>) target_semaphore(%run_scoped3A : memref<!tpu.dma_semaphore, #tpu.memory_space<semaphore_mem>>)
      %dma_wait3A_163 = arith.constant 4096 : i32
      %dma_wait3A_164 = tpu.memref_slice %arg7[%dma_wait3A_163] : memref<8192xi32, #tpu.memory_space<vmem>> -> memref<4096xi32, #tpu.memory_space<vmem>>
      %dma_wait3A_165 = arith.constant 0 : i32
      %dma_wait3A_166 = tpu.memref_slice %arg2[%select_n3A_46, %dma_wait3A_165] : memref<26x4096xi32, #tpu.memory_space<hbm>> -> memref<1x4096xi32, #tpu.memory_space<hbm>>
      %dma_wait3A_167 = tpu.memref_squeeze %dma_wait3A_166 : memref<1x4096xi32, #tpu.memory_space<hbm>> -> memref<4096xi32, #tpu.memory_space<hbm>>
      %dma_wait3A_168 = arith.constant 4096 : i32
      %dma_wait3A_169 = tpu.memref_slice %arg7[%dma_wait3A_168] : memref<8192xi32, #tpu.memory_space<vmem>> -> memref<4096xi32, #tpu.memory_space<vmem>>
      %dma_wait3A_170 = arith.constant 0 : i32
      %dma_wait3A_171 = tpu.memref_slice %arg2[%select_n3A_46, %dma_wait3A_170] : memref<26x4096xi32, #tpu.memory_space<hbm>> -> memref<1x4096xi32, #tpu.memory_space<hbm>>
      %dma_wait3A_172 = tpu.memref_squeeze %dma_wait3A_171 : memref<1x4096xi32, #tpu.memory_space<hbm>> -> memref<4096xi32, #tpu.memory_space<hbm>>
      tpu.wait_dma2 semaphore(%run_scoped3A : memref<!tpu.dma_semaphore, #tpu.memory_space<semaphore_mem>>) src(%dma_wait3A_172 : memref<4096xi32, #tpu.memory_space<hbm>>) dst(%dma_wait3A_169 : memref<4096xi32, #tpu.memory_space<vmem>>)
      tpu.yield
    }) : () -> ()
    %jit3A_47 = arith.constant 64 : i32
    %div3A_48 = arith.divsi %mul3A_2, %jit3A_47 : i32
    %sign3A_49 = arith.constant 0 : i32
    %sign3A_50 = arith.cmpi sgt, %mul3A_2, %sign3A_49 : i32
    %sign3A_51 = arith.extui %sign3A_50 : i1 to i32
    %sign3A_52 = arith.constant 0 : i32
    %sign3A_53 = arith.cmpi slt, %mul3A_2, %sign3A_52 : i32
    %sign3A_54 = arith.extui %sign3A_53 : i1 to i32
    %sign3A_55 = arith.subi %sign3A_51, %sign3A_54 : i32
    %sign3A_56 = arith.constant 0 : i32
    %sign3A_57 = arith.cmpi sgt, %jit3A_47, %sign3A_56 : i32
    %sign3A_58 = arith.extui %sign3A_57 : i1 to i32
    %sign3A_59 = arith.constant 0 : i32
    %sign3A_60 = arith.cmpi slt, %jit3A_47, %sign3A_59 : i32
    %sign3A_61 = arith.extui %sign3A_60 : i1 to i32
    %sign3A_62 = arith.subi %sign3A_58, %sign3A_61 : i32
    %ne3A_63 = arith.cmpi ne, %sign3A_55, %sign3A_62 : i32
    %rem3A_64 = arith.remsi %mul3A_2, %jit3A_47 : i32
    %ne3A_65 = arith.constant 0 : i32
    %ne3A_66 = arith.cmpi ne, %rem3A_64, %ne3A_65 : i32
    %and3A_67 = arith.andi %ne3A_63, %ne3A_66 : i1
    %sub3A_68 = arith.constant 1 : i32
    %sub3A_69 = arith.subi %div3A_48, %sub3A_68 : i32
    %select_n3A_70 = arith.select %and3A_67, %sub3A_69, %div3A_48 : i32
    %jit3A_71 = arith.constant 64 : i32
    %eq3A = arith.constant 0 : i32
    %eq3A_72 = arith.cmpi eq, %jit3A_71, %eq3A : i32
    %jit3A_73 = arith.constant 1 : i32
    %select_n3A_74 = arith.select %eq3A_72, %jit3A_73, %jit3A_71 : i32
    %rem3A_75 = arith.remsi %mul3A_2, %select_n3A_74 : i32
    %ne3A_76 = arith.constant 0 : i32
    %ne3A_77 = arith.cmpi ne, %rem3A_75, %ne3A_76 : i32
    %lt3A = arith.constant 0 : i32
    %lt3A_78 = arith.cmpi slt, %rem3A_75, %lt3A : i32
    %lt3A_79 = arith.constant 0 : i32
    %lt3A_80 = arith.cmpi slt, %select_n3A_74, %lt3A_79 : i32
    %ne3A_81 = arith.xori %lt3A_78, %lt3A_80 : i1
    %and3A_82 = arith.andi %ne3A_81, %ne3A_77 : i1
    %add3A_83 = arith.addi %rem3A_75, %select_n3A_74 : i32
    %select_n3A_84 = arith.select %and3A_82, %add3A_83, %rem3A_75 : i32
    %dma_start3A = arith.constant 0 : i32
    %dma_start3A_85 = tpu.memref_slice %arg3[%select_n3A_70, %select_n3A_84, %dma_start3A] : memref<26x64x100000xf32, #tpu.memory_space<hbm>> -> memref<1x1x50048xf32, #tpu.memory_space<hbm>>
    %dma_start3A_86 = tpu.memref_squeeze %dma_start3A_85 : memref<1x1x50048xf32, #tpu.memory_space<hbm>> -> memref<50048xf32, #tpu.memory_space<hbm>>
    %dma_start3A_87 = arith.constant 0 : i32
    %dma_start3A_88 = tpu.memref_slice %arg3[%select_n3A_70, %select_n3A_84, %dma_start3A_87] : memref<26x64x100000xf32, #tpu.memory_space<hbm>> -> memref<1x1x50048xf32, #tpu.memory_space<hbm>>
    %dma_start3A_89 = tpu.memref_squeeze %dma_start3A_88 : memref<1x1x50048xf32, #tpu.memory_space<hbm>> -> memref<50048xf32, #tpu.memory_space<hbm>>
    tpu.enqueue_dma source(%dma_start3A_89 : memref<50048xf32, #tpu.memory_space<hbm>>) target(%arg5 : memref<50048xf32, #tpu.memory_space<vmem>>) target_semaphore(%arg10 : memref<!tpu.dma_semaphore, #tpu.memory_space<semaphore_mem>>)
    %jit3A_90 = arith.constant 64 : i32
    %div3A_91 = arith.divsi %mul3A_2, %jit3A_90 : i32
    %sign3A_92 = arith.constant 0 : i32
    %sign3A_93 = arith.cmpi sgt, %mul3A_2, %sign3A_92 : i32
    %sign3A_94 = arith.extui %sign3A_93 : i1 to i32
    %sign3A_95 = arith.constant 0 : i32
    %sign3A_96 = arith.cmpi slt, %mul3A_2, %sign3A_95 : i32
    %sign3A_97 = arith.extui %sign3A_96 : i1 to i32
    %sign3A_98 = arith.subi %sign3A_94, %sign3A_97 : i32
    %sign3A_99 = arith.constant 0 : i32
    %sign3A_100 = arith.cmpi sgt, %jit3A_90, %sign3A_99 : i32
    %sign3A_101 = arith.extui %sign3A_100 : i1 to i32
    %sign3A_102 = arith.constant 0 : i32
    %sign3A_103 = arith.cmpi slt, %jit3A_90, %sign3A_102 : i32
    %sign3A_104 = arith.extui %sign3A_103 : i1 to i32
    %sign3A_105 = arith.subi %sign3A_101, %sign3A_104 : i32
    %ne3A_106 = arith.cmpi ne, %sign3A_98, %sign3A_105 : i32
    %rem3A_107 = arith.remsi %mul3A_2, %jit3A_90 : i32
    %ne3A_108 = arith.constant 0 : i32
    %ne3A_109 = arith.cmpi ne, %rem3A_107, %ne3A_108 : i32
    %and3A_110 = arith.andi %ne3A_106, %ne3A_109 : i1
    %sub3A_111 = arith.constant 1 : i32
    %sub3A_112 = arith.subi %div3A_91, %sub3A_111 : i32
    %select_n3A_113 = arith.select %and3A_110, %sub3A_112, %div3A_91 : i32
    %jit3A_114 = arith.constant 64 : i32
    %eq3A_115 = arith.constant 0 : i32
    %eq3A_116 = arith.cmpi eq, %jit3A_114, %eq3A_115 : i32
    %jit3A_117 = arith.constant 1 : i32
    %select_n3A_118 = arith.select %eq3A_116, %jit3A_117, %jit3A_114 : i32
    %rem3A_119 = arith.remsi %mul3A_2, %select_n3A_118 : i32
    %ne3A_120 = arith.constant 0 : i32
    %ne3A_121 = arith.cmpi ne, %rem3A_119, %ne3A_120 : i32
    %lt3A_122 = arith.constant 0 : i32
    %lt3A_123 = arith.cmpi slt, %rem3A_119, %lt3A_122 : i32
    %lt3A_124 = arith.constant 0 : i32
    %lt3A_125 = arith.cmpi slt, %select_n3A_118, %lt3A_124 : i32
    %ne3A_126 = arith.xori %lt3A_123, %lt3A_125 : i1
    %and3A_127 = arith.andi %ne3A_126, %ne3A_121 : i1
    %add3A_128 = arith.addi %rem3A_119, %select_n3A_118 : i32
    %select_n3A_129 = arith.select %and3A_127, %add3A_128, %rem3A_119 : i32
    %dma_start3A_130 = arith.constant 50048 : i32
    %dma_start3A_131 = tpu.memref_slice %arg3[%select_n3A_113, %select_n3A_129, %dma_start3A_130] : memref<26x64x100000xf32, #tpu.memory_space<hbm>> -> memref<1x1x49952xf32, #tpu.memory_space<hbm>>
    %dma_start3A_132 = tpu.memref_squeeze %dma_start3A_131 : memref<1x1x49952xf32, #tpu.memory_space<hbm>> -> memref<49952xf32, #tpu.memory_space<hbm>>
    %dma_start3A_133 = arith.constant 50048 : i32
    %dma_start3A_134 = tpu.memref_slice %arg3[%select_n3A_113, %select_n3A_129, %dma_start3A_133] : memref<26x64x100000xf32, #tpu.memory_space<hbm>> -> memref<1x1x49952xf32, #tpu.memory_space<hbm>>
    %dma_start3A_135 = tpu.memref_squeeze %dma_start3A_134 : memref<1x1x49952xf32, #tpu.memory_space<hbm>> -> memref<49952xf32, #tpu.memory_space<hbm>>
    tpu.enqueue_dma source(%dma_start3A_135 : memref<49952xf32, #tpu.memory_space<hbm>>) target(%arg6 : memref<49952xf32, #tpu.memory_space<vmem>>) target_semaphore(%arg11 : memref<!tpu.dma_semaphore, #tpu.memory_space<semaphore_mem>>)
    %scan3A = arith.constant 0 : i32
    %scan3A_136 = arith.constant 0 : i32
    %scan3A_137 = arith.constant 26 : i32
    %scan3A_138 = arith.addi %scan3A_136, %scan3A_137 : i32
    %scan3A_139 = arith.constant 1 : i32
    %scan3A_140 = scf.for %scan3A_153 = %scan3A_136 to %scan3A_138 step %scan3A_139 iter_args(%scan3A_154 = %scan3A) -> (i32)  : i32 {
      %mul3A_155 = arith.constant 2 : i32
      %mul3A_156 = arith.muli %mul3A_155, %scan3A_153 : i32
      %add3A_157 = arith.addi %mul3A_2, %mul3A_156 : i32
      %ge3A = arith.constant 1 : i32
      %ge3A_158 = arith.cmpi sge, %scan3A_153, %ge3A : i32
      %convert_element_type3A = arith.extui %ge3A_158 : i1 to i32
      %cond3A = arith.constant 0 : i32
      %cond3A_159 = arith.cmpi ne, %convert_element_type3A, %cond3A : i32
      scf.if %cond3A_159 {
        %dma_wait3A_603 = arith.constant 0 : i32
        %dma_wait3A_604 = tpu.memref_slice %arg4[%add3A_157, %dma_wait3A_603] : memref<1664x4096xf32, #tpu.memory_space<hbm>> -> memref<1x4096xf32, #tpu.memory_space<hbm>>
        %dma_wait3A_605 = tpu.memref_squeeze %dma_wait3A_604 : memref<1x4096xf32, #tpu.memory_space<hbm>> -> memref<4096xf32, #tpu.memory_space<hbm>>
        %dma_wait3A_606 = arith.constant 0 : i32
        %dma_wait3A_607 = tpu.memref_slice %arg4[%add3A_157, %dma_wait3A_606] : memref<1664x4096xf32, #tpu.memory_space<hbm>> -> memref<1x4096xf32, #tpu.memory_space<hbm>>
        %dma_wait3A_608 = tpu.memref_squeeze %dma_wait3A_607 : memref<1x4096xf32, #tpu.memory_space<hbm>> -> memref<4096xf32, #tpu.memory_space<hbm>>
        tpu.wait_dma2 semaphore(%arg12 : memref<!tpu.dma_semaphore, #tpu.memory_space<semaphore_mem>>) src(%arg8 : memref<4096xf32, #tpu.memory_space<vmem>>) dst(%dma_wait3A_608 : memref<4096xf32, #tpu.memory_space<hbm>>)
      } else {
      }
      %add3A_160 = arith.constant 1 : i32
      %add3A_161 = arith.addi %add3A_157, %add3A_160 : i32
      %jit3A_162 = arith.constant 64 : i32
      %div3A_163 = arith.divsi %add3A_157, %jit3A_162 : i32
      %sign3A_164 = arith.constant 0 : i32
      %sign3A_165 = arith.cmpi sgt, %add3A_157, %sign3A_164 : i32
      %sign3A_166 = arith.extui %sign3A_165 : i1 to i32
      %sign3A_167 = arith.constant 0 : i32
      %sign3A_168 = arith.cmpi slt, %add3A_157, %sign3A_167 : i32
      %sign3A_169 = arith.extui %sign3A_168 : i1 to i32
      %sign3A_170 = arith.subi %sign3A_166, %sign3A_169 : i32
      %sign3A_171 = arith.constant 0 : i32
      %sign3A_172 = arith.cmpi sgt, %jit3A_162, %sign3A_171 : i32
      %sign3A_173 = arith.extui %sign3A_172 : i1 to i32
      %sign3A_174 = arith.constant 0 : i32
      %sign3A_175 = arith.cmpi slt, %jit3A_162, %sign3A_174 : i32
      %sign3A_176 = arith.extui %sign3A_175 : i1 to i32
      %sign3A_177 = arith.subi %sign3A_173, %sign3A_176 : i32
      %ne3A_178 = arith.cmpi ne, %sign3A_170, %sign3A_177 : i32
      %rem3A_179 = arith.remsi %add3A_157, %jit3A_162 : i32
      %ne3A_180 = arith.constant 0 : i32
      %ne3A_181 = arith.cmpi ne, %rem3A_179, %ne3A_180 : i32
      %and3A_182 = arith.andi %ne3A_178, %ne3A_181 : i1
      %sub3A_183 = arith.constant 1 : i32
      %sub3A_184 = arith.subi %div3A_163, %sub3A_183 : i32
      %select_n3A_185 = arith.select %and3A_182, %sub3A_184, %div3A_163 : i32
      %jit3A_186 = arith.constant 64 : i32
      %eq3A_187 = arith.constant 0 : i32
      %eq3A_188 = arith.cmpi eq, %jit3A_186, %eq3A_187 : i32
      %jit3A_189 = arith.constant 1 : i32
      %select_n3A_190 = arith.select %eq3A_188, %jit3A_189, %jit3A_186 : i32
      %rem3A_191 = arith.remsi %add3A_157, %select_n3A_190 : i32
      %ne3A_192 = arith.constant 0 : i32
      %ne3A_193 = arith.cmpi ne, %rem3A_191, %ne3A_192 : i32
      %lt3A_194 = arith.constant 0 : i32
      %lt3A_195 = arith.cmpi slt, %rem3A_191, %lt3A_194 : i32
      %lt3A_196 = arith.constant 0 : i32
      %lt3A_197 = arith.cmpi slt, %select_n3A_190, %lt3A_196 : i32
      %ne3A_198 = arith.xori %lt3A_195, %lt3A_197 : i1
      %and3A_199 = arith.andi %ne3A_198, %ne3A_193 : i1
      %add3A_200 = arith.addi %rem3A_191, %select_n3A_190 : i32
      %select_n3A_201 = arith.select %and3A_199, %add3A_200, %rem3A_191 : i32
      %dma_wait3A_202 = arith.constant 0 : i32
      %dma_wait3A_203 = tpu.memref_slice %arg3[%select_n3A_185, %select_n3A_201, %dma_wait3A_202] : memref<26x64x100000xf32, #tpu.memory_space<hbm>> -> memref<1x1x50048xf32, #tpu.memory_space<hbm>>
      %dma_wait3A_204 = tpu.memref_squeeze %dma_wait3A_203 : memref<1x1x50048xf32, #tpu.memory_space<hbm>> -> memref<50048xf32, #tpu.memory_space<hbm>>
      %dma_wait3A_205 = arith.constant 0 : i32
      %dma_wait3A_206 = tpu.memref_slice %arg3[%select_n3A_185, %select_n3A_201, %dma_wait3A_205] : memref<26x64x100000xf32, #tpu.memory_space<hbm>> -> memref<1x1x50048xf32, #tpu.memory_space<hbm>>
      %dma_wait3A_207 = tpu.memref_squeeze %dma_wait3A_206 : memref<1x1x50048xf32, #tpu.memory_space<hbm>> -> memref<50048xf32, #tpu.memory_space<hbm>>
      tpu.wait_dma2 semaphore(%arg10 : memref<!tpu.dma_semaphore, #tpu.memory_space<semaphore_mem>>) src(%dma_wait3A_207 : memref<50048xf32, #tpu.memory_space<hbm>>) dst(%arg5 : memref<50048xf32, #tpu.memory_space<vmem>>)
      %jit3A_208 = arith.constant 64 : i32
      %div3A_209 = arith.divsi %add3A_157, %jit3A_208 : i32
      %sign3A_210 = arith.constant 0 : i32
      %sign3A_211 = arith.cmpi sgt, %add3A_157, %sign3A_210 : i32
      %sign3A_212 = arith.extui %sign3A_211 : i1 to i32
      %sign3A_213 = arith.constant 0 : i32
      %sign3A_214 = arith.cmpi slt, %add3A_157, %sign3A_213 : i32
      %sign3A_215 = arith.extui %sign3A_214 : i1 to i32
      %sign3A_216 = arith.subi %sign3A_212, %sign3A_215 : i32
      %sign3A_217 = arith.constant 0 : i32
      %sign3A_218 = arith.cmpi sgt, %jit3A_208, %sign3A_217 : i32
      %sign3A_219 = arith.extui %sign3A_218 : i1 to i32
      %sign3A_220 = arith.constant 0 : i32
      %sign3A_221 = arith.cmpi slt, %jit3A_208, %sign3A_220 : i32
      %sign3A_222 = arith.extui %sign3A_221 : i1 to i32
      %sign3A_223 = arith.subi %sign3A_219, %sign3A_222 : i32
      %ne3A_224 = arith.cmpi ne, %sign3A_216, %sign3A_223 : i32
      %rem3A_225 = arith.remsi %add3A_157, %jit3A_208 : i32
      %ne3A_226 = arith.constant 0 : i32
      %ne3A_227 = arith.cmpi ne, %rem3A_225, %ne3A_226 : i32
      %and3A_228 = arith.andi %ne3A_224, %ne3A_227 : i1
      %sub3A_229 = arith.constant 1 : i32
      %sub3A_230 = arith.subi %div3A_209, %sub3A_229 : i32
      %select_n3A_231 = arith.select %and3A_228, %sub3A_230, %div3A_209 : i32
      %sub3A_232 = arith.subi %select_n3A_231, %select_n3A : i32
      %mul3A_233 = arith.constant 4096 : i32
      %mul3A_234 = arith.muli %sub3A_232, %mul3A_233 : i32
      %scan3A_235 = arith.constant 0 : i32
      %scan3A_236 = arith.constant 0 : i32
      %scan3A_237 = arith.constant 16 : i32
      %scan3A_238 = arith.addi %scan3A_236, %scan3A_237 : i32
      %scan3A_239 = arith.constant 1 : i32
      %scan3A_240 = scf.for %scan3A_603 = %scan3A_236 to %scan3A_238 step %scan3A_239 iter_args(%scan3A_604 = %scan3A_235) -> (i32)  : i32 {
        %mul3A_605 = arith.constant 16 : i32
        %mul3A_606 = arith.muli %scan3A_603, %mul3A_605 : i32
        %add3A_607 = arith.constant 0 : i32
        %add3A_608 = arith.addi %mul3A_606, %add3A_607 : i32
        %mul3A_609 = arith.constant 16 : i32
        %mul3A_610 = arith.muli %add3A_608, %mul3A_609 : i32
        %add3A_611 = arith.addi %mul3A_234, %mul3A_610 : i32
        %get3A = arith.index_cast %add3A_611 : i32 to index
        %get3A_612 = tpu.vector_load %arg7[%get3A] {strides = array<i32>} : memref<8192xi32, #tpu.memory_space<vmem>>, vector<16xi32>,
        %lt3A_613 = arith.constant 50048 : i32
        %lt3A_614 = vector.broadcast %lt3A_613 : i32 to vector<16xi32>
        %lt3A_615 = arith.cmpi slt, %get3A_612, %lt3A_614 : vector<16xi32>
        %gather3A = tpu.vector_load_idx %arg5[%get3A_612] masked %lt3A_615 : memref<50048xf32, #tpu.memory_space<vmem>>[vector<16xi32>], vector<16xf32>, vector<16xi1>
        %swap3A = arith.index_cast %mul3A_610 : i32 to index
        %swap3A_616 = tpu.vector_load %arg8[%swap3A] {strides = array<i32>} : memref<4096xf32, #tpu.memory_space<vmem>>, vector<16xf32>,
        tpu.vector_store %arg8[%swap3A], %gather3A {strides = array<i32>} : memref<4096xf32, #tpu.memory_space<vmem>>, vector<16xf32>,
        %mul3A_617 = arith.constant 16 : i32
        %mul3A_618 = arith.muli %scan3A_603, %mul3A_617 : i32
        %add3A_619 = arith.constant 1 : i32
        %add3A_620 = arith.addi %mul3A_618, %add3A_619 : i32
        %mul3A_621 = arith.constant 16 : i32
        %mul3A_622 = arith.muli %add3A_620, %mul3A_621 : i32
        %add3A_623 = arith.addi %mul3A_234, %mul3A_622 : i32
        %get3A_624 = arith.index_cast %add3A_623 : i32 to index
        %get3A_625 = tpu.vector_load %arg7[%get3A_624] {strides = array<i32>} : memref<8192xi32, #tpu.memory_space<vmem>>, vector<16xi32>,
        %lt3A_626 = arith.constant 50048 : i32
        %lt3A_627 = vector.broadcast %lt3A_626 : i32 to vector<16xi32>
        %lt3A_628 = arith.cmpi slt, %get3A_625, %lt3A_627 : vector<16xi32>
        %gather3A_629 = tpu.vector_load_idx %arg5[%get3A_625] masked %lt3A_628 : memref<50048xf32, #tpu.memory_space<vmem>>[vector<16xi32>], vector<16xf32>, vector<16xi1>
        %swap3A_630 = arith.index_cast %mul3A_622 : i32 to index
        %swap3A_631 = tpu.vector_load %arg8[%swap3A_630] {strides = array<i32>} : memref<4096xf32, #tpu.memory_space<vmem>>, vector<16xf32>,
        tpu.vector_store %arg8[%swap3A_630], %gather3A_629 {strides = array<i32>} : memref<4096xf32, #tpu.memory_space<vmem>>, vector<16xf32>,
        %mul3A_632 = arith.constant 16 : i32
        %mul3A_633 = arith.muli %scan3A_603, %mul3A_632 : i32
        %add3A_634 = arith.constant 2 : i32
        %add3A_635 = arith.addi %mul3A_633, %add3A_634 : i32
        %mul3A_636 = arith.constant 16 : i32
        %mul3A_637 = arith.muli %add3A_635, %mul3A_636 : i32
        %add3A_638 = arith.addi %mul3A_234, %mul3A_637 : i32
        %get3A_639 = arith.index_cast %add3A_638 : i32 to index
        %get3A_640 = tpu.vector_load %arg7[%get3A_639] {strides = array<i32>} : memref<8192xi32, #tpu.memory_space<vmem>>, vector<16xi32>,
        %lt3A_641 = arith.constant 50048 : i32
        %lt3A_642 = vector.broadcast %lt3A_641 : i32 to vector<16xi32>
        %lt3A_643 = arith.cmpi slt, %get3A_640, %lt3A_642 : vector<16xi32>
        %gather3A_644 = tpu.vector_load_idx %arg5[%get3A_640] masked %lt3A_643 : memref<50048xf32, #tpu.memory_space<vmem>>[vector<16xi32>], vector<16xf32>, vector<16xi1>
        %swap3A_645 = arith.index_cast %mul3A_637 : i32 to index
        %swap3A_646 = tpu.vector_load %arg8[%swap3A_645] {strides = array<i32>} : memref<4096xf32, #tpu.memory_space<vmem>>, vector<16xf32>,
        tpu.vector_store %arg8[%swap3A_645], %gather3A_644 {strides = array<i32>} : memref<4096xf32, #tpu.memory_space<vmem>>, vector<16xf32>,
        %mul3A_647 = arith.constant 16 : i32
        %mul3A_648 = arith.muli %scan3A_603, %mul3A_647 : i32
        %add3A_649 = arith.constant 3 : i32
        %add3A_650 = arith.addi %mul3A_648, %add3A_649 : i32
        %mul3A_651 = arith.constant 16 : i32
        %mul3A_652 = arith.muli %add3A_650, %mul3A_651 : i32
        %add3A_653 = arith.addi %mul3A_234, %mul3A_652 : i32
        %get3A_654 = arith.index_cast %add3A_653 : i32 to index
        %get3A_655 = tpu.vector_load %arg7[%get3A_654] {strides = array<i32>} : memref<8192xi32, #tpu.memory_space<vmem>>, vector<16xi32>,
        %lt3A_656 = arith.constant 50048 : i32
        %lt3A_657 = vector.broadcast %lt3A_656 : i32 to vector<16xi32>
        %lt3A_658 = arith.cmpi slt, %get3A_655, %lt3A_657 : vector<16xi32>
        %gather3A_659 = tpu.vector_load_idx %arg5[%get3A_655] masked %lt3A_658 : memref<50048xf32, #tpu.memory_space<vmem>>[vector<16xi32>], vector<16xf32>, vector<16xi1>
        %swap3A_660 = arith.index_cast %mul3A_652 : i32 to index
        %swap3A_661 = tpu.vector_load %arg8[%swap3A_660] {strides = array<i32>} : memref<4096xf32, #tpu.memory_space<vmem>>, vector<16xf32>,
        tpu.vector_store %arg8[%swap3A_660], %gather3A_659 {strides = array<i32>} : memref<4096xf32, #tpu.memory_space<vmem>>, vector<16xf32>,
        %mul3A_662 = arith.constant 16 : i32
        %mul3A_663 = arith.muli %scan3A_603, %mul3A_662 : i32
        %add3A_664 = arith.constant 4 : i32
        %add3A_665 = arith.addi %mul3A_663, %add3A_664 : i32
        %mul3A_666 = arith.constant 16 : i32
        %mul3A_667 = arith.muli %add3A_665, %mul3A_666 : i32
        %add3A_668 = arith.addi %mul3A_234, %mul3A_667 : i32
        %get3A_669 = arith.index_cast %add3A_668 : i32 to index
        %get3A_670 = tpu.vector_load %arg7[%get3A_669] {strides = array<i32>} : memref<8192xi32, #tpu.memory_space<vmem>>, vector<16xi32>,
        %lt3A_671 = arith.constant 50048 : i32
        %lt3A_672 = vector.broadcast %lt3A_671 : i32 to vector<16xi32>
        %lt3A_673 = arith.cmpi slt, %get3A_670, %lt3A_672 : vector<16xi32>
        %gather3A_674 = tpu.vector_load_idx %arg5[%get3A_670] masked %lt3A_673 : memref<50048xf32, #tpu.memory_space<vmem>>[vector<16xi32>], vector<16xf32>, vector<16xi1>
        %swap3A_675 = arith.index_cast %mul3A_667 : i32 to index
        %swap3A_676 = tpu.vector_load %arg8[%swap3A_675] {strides = array<i32>} : memref<4096xf32, #tpu.memory_space<vmem>>, vector<16xf32>,
        tpu.vector_store %arg8[%swap3A_675], %gather3A_674 {strides = array<i32>} : memref<4096xf32, #tpu.memory_space<vmem>>, vector<16xf32>,
        %mul3A_677 = arith.constant 16 : i32
        %mul3A_678 = arith.muli %scan3A_603, %mul3A_677 : i32
        %add3A_679 = arith.constant 5 : i32
        %add3A_680 = arith.addi %mul3A_678, %add3A_679 : i32
        %mul3A_681 = arith.constant 16 : i32
        %mul3A_682 = arith.muli %add3A_680, %mul3A_681 : i32
        %add3A_683 = arith.addi %mul3A_234, %mul3A_682 : i32
        %get3A_684 = arith.index_cast %add3A_683 : i32 to index
        %get3A_685 = tpu.vector_load %arg7[%get3A_684] {strides = array<i32>} : memref<8192xi32, #tpu.memory_space<vmem>>, vector<16xi32>,
        %lt3A_686 = arith.constant 50048 : i32
        %lt3A_687 = vector.broadcast %lt3A_686 : i32 to vector<16xi32>
        %lt3A_688 = arith.cmpi slt, %get3A_685, %lt3A_687 : vector<16xi32>
        %gather3A_689 = tpu.vector_load_idx %arg5[%get3A_685] masked %lt3A_688 : memref<50048xf32, #tpu.memory_space<vmem>>[vector<16xi32>], vector<16xf32>, vector<16xi1>
        %swap3A_690 = arith.index_cast %mul3A_682 : i32 to index
        %swap3A_691 = tpu.vector_load %arg8[%swap3A_690] {strides = array<i32>} : memref<4096xf32, #tpu.memory_space<vmem>>, vector<16xf32>,
        tpu.vector_store %arg8[%swap3A_690], %gather3A_689 {strides = array<i32>} : memref<4096xf32, #tpu.memory_space<vmem>>, vector<16xf32>,
        %mul3A_692 = arith.constant 16 : i32
        %mul3A_693 = arith.muli %scan3A_603, %mul3A_692 : i32
        %add3A_694 = arith.constant 6 : i32
        %add3A_695 = arith.addi %mul3A_693, %add3A_694 : i32
        %mul3A_696 = arith.constant 16 : i32
        %mul3A_697 = arith.muli %add3A_695, %mul3A_696 : i32
        %add3A_698 = arith.addi %mul3A_234, %mul3A_697 : i32
        %get3A_699 = arith.index_cast %add3A_698 : i32 to index
        %get3A_700 = tpu.vector_load %arg7[%get3A_699] {strides = array<i32>} : memref<8192xi32, #tpu.memory_space<vmem>>, vector<16xi32>,
        %lt3A_701 = arith.constant 50048 : i32
        %lt3A_702 = vector.broadcast %lt3A_701 : i32 to vector<16xi32>
        %lt3A_703 = arith.cmpi slt, %get3A_700, %lt3A_702 : vector<16xi32>
        %gather3A_704 = tpu.vector_load_idx %arg5[%get3A_700] masked %lt3A_703 : memref<50048xf32, #tpu.memory_space<vmem>>[vector<16xi32>], vector<16xf32>, vector<16xi1>
        %swap3A_705 = arith.index_cast %mul3A_697 : i32 to index
        %swap3A_706 = tpu.vector_load %arg8[%swap3A_705] {strides = array<i32>} : memref<4096xf32, #tpu.memory_space<vmem>>, vector<16xf32>,
        tpu.vector_store %arg8[%swap3A_705], %gather3A_704 {strides = array<i32>} : memref<4096xf32, #tpu.memory_space<vmem>>, vector<16xf32>,
        %mul3A_707 = arith.constant 16 : i32
        %mul3A_708 = arith.muli %scan3A_603, %mul3A_707 : i32
        %add3A_709 = arith.constant 7 : i32
        %add3A_710 = arith.addi %mul3A_708, %add3A_709 : i32
        %mul3A_711 = arith.constant 16 : i32
        %mul3A_712 = arith.muli %add3A_710, %mul3A_711 : i32
        %add3A_713 = arith.addi %mul3A_234, %mul3A_712 : i32
        %get3A_714 = arith.index_cast %add3A_713 : i32 to index
        %get3A_715 = tpu.vector_load %arg7[%get3A_714] {strides = array<i32>} : memref<8192xi32, #tpu.memory_space<vmem>>, vector<16xi32>,
        %lt3A_716 = arith.constant 50048 : i32
        %lt3A_717 = vector.broadcast %lt3A_716 : i32 to vector<16xi32>
        %lt3A_718 = arith.cmpi slt, %get3A_715, %lt3A_717 : vector<16xi32>
        %gather3A_719 = tpu.vector_load_idx %arg5[%get3A_715] masked %lt3A_718 : memref<50048xf32, #tpu.memory_space<vmem>>[vector<16xi32>], vector<16xf32>, vector<16xi1>
        %swap3A_720 = arith.index_cast %mul3A_712 : i32 to index
        %swap3A_721 = tpu.vector_load %arg8[%swap3A_720] {strides = array<i32>} : memref<4096xf32, #tpu.memory_space<vmem>>, vector<16xf32>,
        tpu.vector_store %arg8[%swap3A_720], %gather3A_719 {strides = array<i32>} : memref<4096xf32, #tpu.memory_space<vmem>>, vector<16xf32>,
        %mul3A_722 = arith.constant 16 : i32
        %mul3A_723 = arith.muli %scan3A_603, %mul3A_722 : i32
        %add3A_724 = arith.constant 8 : i32
        %add3A_725 = arith.addi %mul3A_723, %add3A_724 : i32
        %mul3A_726 = arith.constant 16 : i32
        %mul3A_727 = arith.muli %add3A_725, %mul3A_726 : i32
        %add3A_728 = arith.addi %mul3A_234, %mul3A_727 : i32
        %get3A_729 = arith.index_cast %add3A_728 : i32 to index
        %get3A_730 = tpu.vector_load %arg7[%get3A_729] {strides = array<i32>} : memref<8192xi32, #tpu.memory_space<vmem>>, vector<16xi32>,
        %lt3A_731 = arith.constant 50048 : i32
        %lt3A_732 = vector.broadcast %lt3A_731 : i32 to vector<16xi32>
        %lt3A_733 = arith.cmpi slt, %get3A_730, %lt3A_732 : vector<16xi32>
        %gather3A_734 = tpu.vector_load_idx %arg5[%get3A_730] masked %lt3A_733 : memref<50048xf32, #tpu.memory_space<vmem>>[vector<16xi32>], vector<16xf32>, vector<16xi1>
        %swap3A_735 = arith.index_cast %mul3A_727 : i32 to index
        %swap3A_736 = tpu.vector_load %arg8[%swap3A_735] {strides = array<i32>} : memref<4096xf32, #tpu.memory_space<vmem>>, vector<16xf32>,
        tpu.vector_store %arg8[%swap3A_735], %gather3A_734 {strides = array<i32>} : memref<4096xf32, #tpu.memory_space<vmem>>, vector<16xf32>,
        %mul3A_737 = arith.constant 16 : i32
        %mul3A_738 = arith.muli %scan3A_603, %mul3A_737 : i32
        %add3A_739 = arith.constant 9 : i32
        %add3A_740 = arith.addi %mul3A_738, %add3A_739 : i32
        %mul3A_741 = arith.constant 16 : i32
        %mul3A_742 = arith.muli %add3A_740, %mul3A_741 : i32
        %add3A_743 = arith.addi %mul3A_234, %mul3A_742 : i32
        %get3A_744 = arith.index_cast %add3A_743 : i32 to index
        %get3A_745 = tpu.vector_load %arg7[%get3A_744] {strides = array<i32>} : memref<8192xi32, #tpu.memory_space<vmem>>, vector<16xi32>,
        %lt3A_746 = arith.constant 50048 : i32
        %lt3A_747 = vector.broadcast %lt3A_746 : i32 to vector<16xi32>
        %lt3A_748 = arith.cmpi slt, %get3A_745, %lt3A_747 : vector<16xi32>
        %gather3A_749 = tpu.vector_load_idx %arg5[%get3A_745] masked %lt3A_748 : memref<50048xf32, #tpu.memory_space<vmem>>[vector<16xi32>], vector<16xf32>, vector<16xi1>
        %swap3A_750 = arith.index_cast %mul3A_742 : i32 to index
        %swap3A_751 = tpu.vector_load %arg8[%swap3A_750] {strides = array<i32>} : memref<4096xf32, #tpu.memory_space<vmem>>, vector<16xf32>,
        tpu.vector_store %arg8[%swap3A_750], %gather3A_749 {strides = array<i32>} : memref<4096xf32, #tpu.memory_space<vmem>>, vector<16xf32>,
        %mul3A_752 = arith.constant 16 : i32
        %mul3A_753 = arith.muli %scan3A_603, %mul3A_752 : i32
        %add3A_754 = arith.constant 10 : i32
        %add3A_755 = arith.addi %mul3A_753, %add3A_754 : i32
        %mul3A_756 = arith.constant 16 : i32
        %mul3A_757 = arith.muli %add3A_755, %mul3A_756 : i32
        %add3A_758 = arith.addi %mul3A_234, %mul3A_757 : i32
        %get3A_759 = arith.index_cast %add3A_758 : i32 to index
        %get3A_760 = tpu.vector_load %arg7[%get3A_759] {strides = array<i32>} : memref<8192xi32, #tpu.memory_space<vmem>>, vector<16xi32>,
        %lt3A_761 = arith.constant 50048 : i32
        %lt3A_762 = vector.broadcast %lt3A_761 : i32 to vector<16xi32>
        %lt3A_763 = arith.cmpi slt, %get3A_760, %lt3A_762 : vector<16xi32>
        %gather3A_764 = tpu.vector_load_idx %arg5[%get3A_760] masked %lt3A_763 : memref<50048xf32, #tpu.memory_space<vmem>>[vector<16xi32>], vector<16xf32>, vector<16xi1>
        %swap3A_765 = arith.index_cast %mul3A_757 : i32 to index
        %swap3A_766 = tpu.vector_load %arg8[%swap3A_765] {strides = array<i32>} : memref<4096xf32, #tpu.memory_space<vmem>>, vector<16xf32>,
        tpu.vector_store %arg8[%swap3A_765], %gather3A_764 {strides = array<i32>} : memref<4096xf32, #tpu.memory_space<vmem>>, vector<16xf32>,
        %mul3A_767 = arith.constant 16 : i32
        %mul3A_768 = arith.muli %scan3A_603, %mul3A_767 : i32
        %add3A_769 = arith.constant 11 : i32
        %add3A_770 = arith.addi %mul3A_768, %add3A_769 : i32
        %mul3A_771 = arith.constant 16 : i32
        %mul3A_772 = arith.muli %add3A_770, %mul3A_771 : i32
        %add3A_773 = arith.addi %mul3A_234, %mul3A_772 : i32
        %get3A_774 = arith.index_cast %add3A_773 : i32 to index
        %get3A_775 = tpu.vector_load %arg7[%get3A_774] {strides = array<i32>} : memref<8192xi32, #tpu.memory_space<vmem>>, vector<16xi32>,
        %lt3A_776 = arith.constant 50048 : i32
        %lt3A_777 = vector.broadcast %lt3A_776 : i32 to vector<16xi32>
        %lt3A_778 = arith.cmpi slt, %get3A_775, %lt3A_777 : vector<16xi32>
        %gather3A_779 = tpu.vector_load_idx %arg5[%get3A_775] masked %lt3A_778 : memref<50048xf32, #tpu.memory_space<vmem>>[vector<16xi32>], vector<16xf32>, vector<16xi1>
        %swap3A_780 = arith.index_cast %mul3A_772 : i32 to index
        %swap3A_781 = tpu.vector_load %arg8[%swap3A_780] {strides = array<i32>} : memref<4096xf32, #tpu.memory_space<vmem>>, vector<16xf32>,
        tpu.vector_store %arg8[%swap3A_780], %gather3A_779 {strides = array<i32>} : memref<4096xf32, #tpu.memory_space<vmem>>, vector<16xf32>,
        %mul3A_782 = arith.constant 16 : i32
        %mul3A_783 = arith.muli %scan3A_603, %mul3A_782 : i32
        %add3A_784 = arith.constant 12 : i32
        %add3A_785 = arith.addi %mul3A_783, %add3A_784 : i32
        %mul3A_786 = arith.constant 16 : i32
        %mul3A_787 = arith.muli %add3A_785, %mul3A_786 : i32
        %add3A_788 = arith.addi %mul3A_234, %mul3A_787 : i32
        %get3A_789 = arith.index_cast %add3A_788 : i32 to index
        %get3A_790 = tpu.vector_load %arg7[%get3A_789] {strides = array<i32>} : memref<8192xi32, #tpu.memory_space<vmem>>, vector<16xi32>,
        %lt3A_791 = arith.constant 50048 : i32
        %lt3A_792 = vector.broadcast %lt3A_791 : i32 to vector<16xi32>
        %lt3A_793 = arith.cmpi slt, %get3A_790, %lt3A_792 : vector<16xi32>
        %gather3A_794 = tpu.vector_load_idx %arg5[%get3A_790] masked %lt3A_793 : memref<50048xf32, #tpu.memory_space<vmem>>[vector<16xi32>], vector<16xf32>, vector<16xi1>
        %swap3A_795 = arith.index_cast %mul3A_787 : i32 to index
        %swap3A_796 = tpu.vector_load %arg8[%swap3A_795] {strides = array<i32>} : memref<4096xf32, #tpu.memory_space<vmem>>, vector<16xf32>,
        tpu.vector_store %arg8[%swap3A_795], %gather3A_794 {strides = array<i32>} : memref<4096xf32, #tpu.memory_space<vmem>>, vector<16xf32>,
        %mul3A_797 = arith.constant 16 : i32
        %mul3A_798 = arith.muli %scan3A_603, %mul3A_797 : i32
        %add3A_799 = arith.constant 13 : i32
        %add3A_800 = arith.addi %mul3A_798, %add3A_799 : i32
        %mul3A_801 = arith.constant 16 : i32
        %mul3A_802 = arith.muli %add3A_800, %mul3A_801 : i32
        %add3A_803 = arith.addi %mul3A_234, %mul3A_802 : i32
        %get3A_804 = arith.index_cast %add3A_803 : i32 to index
        %get3A_805 = tpu.vector_load %arg7[%get3A_804] {strides = array<i32>} : memref<8192xi32, #tpu.memory_space<vmem>>, vector<16xi32>,
        %lt3A_806 = arith.constant 50048 : i32
        %lt3A_807 = vector.broadcast %lt3A_806 : i32 to vector<16xi32>
        %lt3A_808 = arith.cmpi slt, %get3A_805, %lt3A_807 : vector<16xi32>
        %gather3A_809 = tpu.vector_load_idx %arg5[%get3A_805] masked %lt3A_808 : memref<50048xf32, #tpu.memory_space<vmem>>[vector<16xi32>], vector<16xf32>, vector<16xi1>
        %swap3A_810 = arith.index_cast %mul3A_802 : i32 to index
        %swap3A_811 = tpu.vector_load %arg8[%swap3A_810] {strides = array<i32>} : memref<4096xf32, #tpu.memory_space<vmem>>, vector<16xf32>,
        tpu.vector_store %arg8[%swap3A_810], %gather3A_809 {strides = array<i32>} : memref<4096xf32, #tpu.memory_space<vmem>>, vector<16xf32>,
        %mul3A_812 = arith.constant 16 : i32
        %mul3A_813 = arith.muli %scan3A_603, %mul3A_812 : i32
        %add3A_814 = arith.constant 14 : i32
        %add3A_815 = arith.addi %mul3A_813, %add3A_814 : i32
        %mul3A_816 = arith.constant 16 : i32
        %mul3A_817 = arith.muli %add3A_815, %mul3A_816 : i32
        %add3A_818 = arith.addi %mul3A_234, %mul3A_817 : i32
        %get3A_819 = arith.index_cast %add3A_818 : i32 to index
        %get3A_820 = tpu.vector_load %arg7[%get3A_819] {strides = array<i32>} : memref<8192xi32, #tpu.memory_space<vmem>>, vector<16xi32>,
        %lt3A_821 = arith.constant 50048 : i32
        %lt3A_822 = vector.broadcast %lt3A_821 : i32 to vector<16xi32>
        %lt3A_823 = arith.cmpi slt, %get3A_820, %lt3A_822 : vector<16xi32>
        %gather3A_824 = tpu.vector_load_idx %arg5[%get3A_820] masked %lt3A_823 : memref<50048xf32, #tpu.memory_space<vmem>>[vector<16xi32>], vector<16xf32>, vector<16xi1>
        %swap3A_825 = arith.index_cast %mul3A_817 : i32 to index
        %swap3A_826 = tpu.vector_load %arg8[%swap3A_825] {strides = array<i32>} : memref<4096xf32, #tpu.memory_space<vmem>>, vector<16xf32>,
        tpu.vector_store %arg8[%swap3A_825], %gather3A_824 {strides = array<i32>} : memref<4096xf32, #tpu.memory_space<vmem>>, vector<16xf32>,
        %mul3A_827 = arith.constant 16 : i32
        %mul3A_828 = arith.muli %scan3A_603, %mul3A_827 : i32
        %add3A_829 = arith.constant 15 : i32
        %add3A_830 = arith.addi %mul3A_828, %add3A_829 : i32
        %mul3A_831 = arith.constant 16 : i32
        %mul3A_832 = arith.muli %add3A_830, %mul3A_831 : i32
        %add3A_833 = arith.addi %mul3A_234, %mul3A_832 : i32
        %get3A_834 = arith.index_cast %add3A_833 : i32 to index
        %get3A_835 = tpu.vector_load %arg7[%get3A_834] {strides = array<i32>} : memref<8192xi32, #tpu.memory_space<vmem>>, vector<16xi32>,
        %lt3A_836 = arith.constant 50048 : i32
        %lt3A_837 = vector.broadcast %lt3A_836 : i32 to vector<16xi32>
        %lt3A_838 = arith.cmpi slt, %get3A_835, %lt3A_837 : vector<16xi32>
        %gather3A_839 = tpu.vector_load_idx %arg5[%get3A_835] masked %lt3A_838 : memref<50048xf32, #tpu.memory_space<vmem>>[vector<16xi32>], vector<16xf32>, vector<16xi1>
        %swap3A_840 = arith.index_cast %mul3A_832 : i32 to index
        %swap3A_841 = tpu.vector_load %arg8[%swap3A_840] {strides = array<i32>} : memref<4096xf32, #tpu.memory_space<vmem>>, vector<16xf32>,
        tpu.vector_store %arg8[%swap3A_840], %gather3A_839 {strides = array<i32>} : memref<4096xf32, #tpu.memory_space<vmem>>, vector<16xf32>,
        %scan3A_842 = arith.constant 0 : i32
        scf.yield %scan3A_842 : i32
      }
      %scan3A_241 = arith.constant 16 : i32
      %jit3A_242 = arith.constant 64 : i32
      %div3A_243 = arith.divsi %add3A_161, %jit3A_242 : i32
      %sign3A_244 = arith.constant 0 : i32
      %sign3A_245 = arith.cmpi sgt, %add3A_161, %sign3A_244 : i32
      %sign3A_246 = arith.extui %sign3A_245 : i1 to i32
      %sign3A_247 = arith.constant 0 : i32
      %sign3A_248 = arith.cmpi slt, %add3A_161, %sign3A_247 : i32
      %sign3A_249 = arith.extui %sign3A_248 : i1 to i32
      %sign3A_250 = arith.subi %sign3A_246, %sign3A_249 : i32
      %sign3A_251 = arith.constant 0 : i32
      %sign3A_252 = arith.cmpi sgt, %jit3A_242, %sign3A_251 : i32
      %sign3A_253 = arith.extui %sign3A_252 : i1 to i32
      %sign3A_254 = arith.constant 0 : i32
      %sign3A_255 = arith.cmpi slt, %jit3A_242, %sign3A_254 : i32
      %sign3A_256 = arith.extui %sign3A_255 : i1 to i32
      %sign3A_257 = arith.subi %sign3A_253, %sign3A_256 : i32
      %ne3A_258 = arith.cmpi ne, %sign3A_250, %sign3A_257 : i32
      %rem3A_259 = arith.remsi %add3A_161, %jit3A_242 : i32
      %ne3A_260 = arith.constant 0 : i32
      %ne3A_261 = arith.cmpi ne, %rem3A_259, %ne3A_260 : i32
      %and3A_262 = arith.andi %ne3A_258, %ne3A_261 : i1
      %sub3A_263 = arith.constant 1 : i32
      %sub3A_264 = arith.subi %div3A_243, %sub3A_263 : i32
      %select_n3A_265 = arith.select %and3A_262, %sub3A_264, %div3A_243 : i32
      %jit3A_266 = arith.constant 64 : i32
      %eq3A_267 = arith.constant 0 : i32
      %eq3A_268 = arith.cmpi eq, %jit3A_266, %eq3A_267 : i32
      %jit3A_269 = arith.constant 1 : i32
      %select_n3A_270 = arith.select %eq3A_268, %jit3A_269, %jit3A_266 : i32
      %rem3A_271 = arith.remsi %add3A_161, %select_n3A_270 : i32
      %ne3A_272 = arith.constant 0 : i32
      %ne3A_273 = arith.cmpi ne, %rem3A_271, %ne3A_272 : i32
      %lt3A_274 = arith.constant 0 : i32
      %lt3A_275 = arith.cmpi slt, %rem3A_271, %lt3A_274 : i32
      %lt3A_276 = arith.constant 0 : i32
      %lt3A_277 = arith.cmpi slt, %select_n3A_270, %lt3A_276 : i32
      %ne3A_278 = arith.xori %lt3A_275, %lt3A_277 : i1
      %and3A_279 = arith.andi %ne3A_278, %ne3A_273 : i1
      %add3A_280 = arith.addi %rem3A_271, %select_n3A_270 : i32
      %select_n3A_281 = arith.select %and3A_279, %add3A_280, %rem3A_271 : i32
      %dma_start3A_282 = arith.constant 0 : i32
      %dma_start3A_283 = tpu.memref_slice %arg3[%select_n3A_265, %select_n3A_281, %dma_start3A_282] : memref<26x64x100000xf32, #tpu.memory_space<hbm>> -> memref<1x1x50048xf32, #tpu.memory_space<hbm>>
      %dma_start3A_284 = tpu.memref_squeeze %dma_start3A_283 : memref<1x1x50048xf32, #tpu.memory_space<hbm>> -> memref<50048xf32, #tpu.memory_space<hbm>>
      %dma_start3A_285 = arith.constant 0 : i32
      %dma_start3A_286 = tpu.memref_slice %arg3[%select_n3A_265, %select_n3A_281, %dma_start3A_285] : memref<26x64x100000xf32, #tpu.memory_space<hbm>> -> memref<1x1x50048xf32, #tpu.memory_space<hbm>>
      %dma_start3A_287 = tpu.memref_squeeze %dma_start3A_286 : memref<1x1x50048xf32, #tpu.memory_space<hbm>> -> memref<50048xf32, #tpu.memory_space<hbm>>
      tpu.enqueue_dma source(%dma_start3A_287 : memref<50048xf32, #tpu.memory_space<hbm>>) target(%arg5 : memref<50048xf32, #tpu.memory_space<vmem>>) target_semaphore(%arg10 : memref<!tpu.dma_semaphore, #tpu.memory_space<semaphore_mem>>)
      %jit3A_288 = arith.constant 64 : i32
      %div3A_289 = arith.divsi %add3A_157, %jit3A_288 : i32
      %sign3A_290 = arith.constant 0 : i32
      %sign3A_291 = arith.cmpi sgt, %add3A_157, %sign3A_290 : i32
      %sign3A_292 = arith.extui %sign3A_291 : i1 to i32
      %sign3A_293 = arith.constant 0 : i32
      %sign3A_294 = arith.cmpi slt, %add3A_157, %sign3A_293 : i32
      %sign3A_295 = arith.extui %sign3A_294 : i1 to i32
      %sign3A_296 = arith.subi %sign3A_292, %sign3A_295 : i32
      %sign3A_297 = arith.constant 0 : i32
      %sign3A_298 = arith.cmpi sgt, %jit3A_288, %sign3A_297 : i32
      %sign3A_299 = arith.extui %sign3A_298 : i1 to i32
      %sign3A_300 = arith.constant 0 : i32
      %sign3A_301 = arith.cmpi slt, %jit3A_288, %sign3A_300 : i32
      %sign3A_302 = arith.extui %sign3A_301 : i1 to i32
      %sign3A_303 = arith.subi %sign3A_299, %sign3A_302 : i32
      %ne3A_304 = arith.cmpi ne, %sign3A_296, %sign3A_303 : i32
      %rem3A_305 = arith.remsi %add3A_157, %jit3A_288 : i32
      %ne3A_306 = arith.constant 0 : i32
      %ne3A_307 = arith.cmpi ne, %rem3A_305, %ne3A_306 : i32
      %and3A_308 = arith.andi %ne3A_304, %ne3A_307 : i1
      %sub3A_309 = arith.constant 1 : i32
      %sub3A_310 = arith.subi %div3A_289, %sub3A_309 : i32
      %select_n3A_311 = arith.select %and3A_308, %sub3A_310, %div3A_289 : i32
      %jit3A_312 = arith.constant 64 : i32
      %eq3A_313 = arith.constant 0 : i32
      %eq3A_314 = arith.cmpi eq, %jit3A_312, %eq3A_313 : i32
      %jit3A_315 = arith.constant 1 : i32
      %select_n3A_316 = arith.select %eq3A_314, %jit3A_315, %jit3A_312 : i32
      %rem3A_317 = arith.remsi %add3A_157, %select_n3A_316 : i32
      %ne3A_318 = arith.constant 0 : i32
      %ne3A_319 = arith.cmpi ne, %rem3A_317, %ne3A_318 : i32
      %lt3A_320 = arith.constant 0 : i32
      %lt3A_321 = arith.cmpi slt, %rem3A_317, %lt3A_320 : i32
      %lt3A_322 = arith.constant 0 : i32
      %lt3A_323 = arith.cmpi slt, %select_n3A_316, %lt3A_322 : i32
      %ne3A_324 = arith.xori %lt3A_321, %lt3A_323 : i1
      %and3A_325 = arith.andi %ne3A_324, %ne3A_319 : i1
      %add3A_326 = arith.addi %rem3A_317, %select_n3A_316 : i32
      %select_n3A_327 = arith.select %and3A_325, %add3A_326, %rem3A_317 : i32
      %dma_wait3A_328 = arith.constant 50048 : i32
      %dma_wait3A_329 = tpu.memref_slice %arg3[%select_n3A_311, %select_n3A_327, %dma_wait3A_328] : memref<26x64x100000xf32, #tpu.memory_space<hbm>> -> memref<1x1x49952xf32, #tpu.memory_space<hbm>>
      %dma_wait3A_330 = tpu.memref_squeeze %dma_wait3A_329 : memref<1x1x49952xf32, #tpu.memory_space<hbm>> -> memref<49952xf32, #tpu.memory_space<hbm>>
      %dma_wait3A_331 = arith.constant 50048 : i32
      %dma_wait3A_332 = tpu.memref_slice %arg3[%select_n3A_311, %select_n3A_327, %dma_wait3A_331] : memref<26x64x100000xf32, #tpu.memory_space<hbm>> -> memref<1x1x49952xf32, #tpu.memory_space<hbm>>
      %dma_wait3A_333 = tpu.memref_squeeze %dma_wait3A_332 : memref<1x1x49952xf32, #tpu.memory_space<hbm>> -> memref<49952xf32, #tpu.memory_space<hbm>>
      tpu.wait_dma2 semaphore(%arg11 : memref<!tpu.dma_semaphore, #tpu.memory_space<semaphore_mem>>) src(%dma_wait3A_333 : memref<49952xf32, #tpu.memory_space<hbm>>) dst(%arg6 : memref<49952xf32, #tpu.memory_space<vmem>>)
      %jit3A_334 = arith.constant 64 : i32
      %div3A_335 = arith.divsi %add3A_157, %jit3A_334 : i32
      %sign3A_336 = arith.constant 0 : i32
      %sign3A_337 = arith.cmpi sgt, %add3A_157, %sign3A_336 : i32
      %sign3A_338 = arith.extui %sign3A_337 : i1 to i32
      %sign3A_339 = arith.constant 0 : i32
      %sign3A_340 = arith.cmpi slt, %add3A_157, %sign3A_339 : i32
      %sign3A_341 = arith.extui %sign3A_340 : i1 to i32
      %sign3A_342 = arith.subi %sign3A_338, %sign3A_341 : i32
      %sign3A_343 = arith.constant 0 : i32
      %sign3A_344 = arith.cmpi sgt, %jit3A_334, %sign3A_343 : i32
      %sign3A_345 = arith.extui %sign3A_344 : i1 to i32
      %sign3A_346 = arith.constant 0 : i32
      %sign3A_347 = arith.cmpi slt, %jit3A_334, %sign3A_346 : i32
      %sign3A_348 = arith.extui %sign3A_347 : i1 to i32
      %sign3A_349 = arith.subi %sign3A_345, %sign3A_348 : i32
      %ne3A_350 = arith.cmpi ne, %sign3A_342, %sign3A_349 : i32
      %rem3A_351 = arith.remsi %add3A_157, %jit3A_334 : i32
      %ne3A_352 = arith.constant 0 : i32
      %ne3A_353 = arith.cmpi ne, %rem3A_351, %ne3A_352 : i32
      %and3A_354 = arith.andi %ne3A_350, %ne3A_353 : i1
      %sub3A_355 = arith.constant 1 : i32
      %sub3A_356 = arith.subi %div3A_335, %sub3A_355 : i32
      %select_n3A_357 = arith.select %and3A_354, %sub3A_356, %div3A_335 : i32
      %sub3A_358 = arith.subi %select_n3A_357, %select_n3A : i32
      %mul3A_359 = arith.constant 4096 : i32
      %mul3A_360 = arith.muli %sub3A_358, %mul3A_359 : i32
      %scan3A_361 = arith.constant 0 : i32
      %scan3A_362 = arith.constant 0 : i32
      %scan3A_363 = arith.constant 16 : i32
      %scan3A_364 = arith.addi %scan3A_362, %scan3A_363 : i32
      %scan3A_365 = arith.constant 1 : i32
      %scan3A_366 = scf.for %scan3A_603 = %scan3A_362 to %scan3A_364 step %scan3A_365 iter_args(%scan3A_604 = %scan3A_361) -> (i32)  : i32 {
        %mul3A_605 = arith.constant 16 : i32
        %mul3A_606 = arith.muli %scan3A_603, %mul3A_605 : i32
        %add3A_607 = arith.constant 0 : i32
        %add3A_608 = arith.addi %mul3A_606, %add3A_607 : i32
        %mul3A_609 = arith.constant 16 : i32
        %mul3A_610 = arith.muli %add3A_608, %mul3A_609 : i32
        %add3A_611 = arith.addi %mul3A_360, %mul3A_610 : i32
        %get3A = arith.index_cast %add3A_611 : i32 to index
        %get3A_612 = tpu.vector_load %arg7[%get3A] {strides = array<i32>} : memref<8192xi32, #tpu.memory_space<vmem>>, vector<16xi32>,
        %ge3A_613 = arith.constant 50048 : i32
        %ge3A_614 = vector.broadcast %ge3A_613 : i32 to vector<16xi32>
        %ge3A_615 = arith.cmpi sge, %get3A_612, %ge3A_614 : vector<16xi32>
        %sub3A_616 = arith.constant 50048 : i32
        %sub3A_617 = vector.broadcast %sub3A_616 : i32 to vector<16xi32>
        %sub3A_618 = arith.subi %get3A_612, %sub3A_617 : vector<16xi32>
        %gather3A = tpu.vector_load_idx %arg6[%sub3A_618] masked %ge3A_615 : memref<49952xf32, #tpu.memory_space<vmem>>[vector<16xi32>], vector<16xf32>, vector<16xi1>
        %get3A_619 = arith.index_cast %mul3A_610 : i32 to index
        %get3A_620 = tpu.vector_load %arg8[%get3A_619] {strides = array<i32>} : memref<4096xf32, #tpu.memory_space<vmem>>, vector<16xf32>,
        %select_n3A_621 = arith.select %ge3A_615, %gather3A, %get3A_620 : vector<16xi1>, vector<16xf32>
        %swap3A = arith.index_cast %mul3A_610 : i32 to index
        %swap3A_622 = tpu.vector_load %arg8[%swap3A] {strides = array<i32>} : memref<4096xf32, #tpu.memory_space<vmem>>, vector<16xf32>,
        tpu.vector_store %arg8[%swap3A], %select_n3A_621 {strides = array<i32>} : memref<4096xf32, #tpu.memory_space<vmem>>, vector<16xf32>,
        %mul3A_623 = arith.constant 16 : i32
        %mul3A_624 = arith.muli %scan3A_603, %mul3A_623 : i32
        %add3A_625 = arith.constant 1 : i32
        %add3A_626 = arith.addi %mul3A_624, %add3A_625 : i32
        %mul3A_627 = arith.constant 16 : i32
        %mul3A_628 = arith.muli %add3A_626, %mul3A_627 : i32
        %add3A_629 = arith.addi %mul3A_360, %mul3A_628 : i32
        %get3A_630 = arith.index_cast %add3A_629 : i32 to index
        %get3A_631 = tpu.vector_load %arg7[%get3A_630] {strides = array<i32>} : memref<8192xi32, #tpu.memory_space<vmem>>, vector<16xi32>,
        %ge3A_632 = arith.constant 50048 : i32
        %ge3A_633 = vector.broadcast %ge3A_632 : i32 to vector<16xi32>
        %ge3A_634 = arith.cmpi sge, %get3A_631, %ge3A_633 : vector<16xi32>
        %sub3A_635 = arith.constant 50048 : i32
        %sub3A_636 = vector.broadcast %sub3A_635 : i32 to vector<16xi32>
        %sub3A_637 = arith.subi %get3A_631, %sub3A_636 : vector<16xi32>
        %gather3A_638 = tpu.vector_load_idx %arg6[%sub3A_637] masked %ge3A_634 : memref<49952xf32, #tpu.memory_space<vmem>>[vector<16xi32>], vector<16xf32>, vector<16xi1>
        %get3A_639 = arith.index_cast %mul3A_628 : i32 to index
        %get3A_640 = tpu.vector_load %arg8[%get3A_639] {strides = array<i32>} : memref<4096xf32, #tpu.memory_space<vmem>>, vector<16xf32>,
        %select_n3A_641 = arith.select %ge3A_634, %gather3A_638, %get3A_640 : vector<16xi1>, vector<16xf32>
        %swap3A_642 = arith.index_cast %mul3A_628 : i32 to index
        %swap3A_643 = tpu.vector_load %arg8[%swap3A_642] {strides = array<i32>} : memref<4096xf32, #tpu.memory_space<vmem>>, vector<16xf32>,
        tpu.vector_store %arg8[%swap3A_642], %select_n3A_641 {strides = array<i32>} : memref<4096xf32, #tpu.memory_space<vmem>>, vector<16xf32>,
        %mul3A_644 = arith.constant 16 : i32
        %mul3A_645 = arith.muli %scan3A_603, %mul3A_644 : i32
        %add3A_646 = arith.constant 2 : i32
        %add3A_647 = arith.addi %mul3A_645, %add3A_646 : i32
        %mul3A_648 = arith.constant 16 : i32
        %mul3A_649 = arith.muli %add3A_647, %mul3A_648 : i32
        %add3A_650 = arith.addi %mul3A_360, %mul3A_649 : i32
        %get3A_651 = arith.index_cast %add3A_650 : i32 to index
        %get3A_652 = tpu.vector_load %arg7[%get3A_651] {strides = array<i32>} : memref<8192xi32, #tpu.memory_space<vmem>>, vector<16xi32>,
        %ge3A_653 = arith.constant 50048 : i32
        %ge3A_654 = vector.broadcast %ge3A_653 : i32 to vector<16xi32>
        %ge3A_655 = arith.cmpi sge, %get3A_652, %ge3A_654 : vector<16xi32>
        %sub3A_656 = arith.constant 50048 : i32
        %sub3A_657 = vector.broadcast %sub3A_656 : i32 to vector<16xi32>
        %sub3A_658 = arith.subi %get3A_652, %sub3A_657 : vector<16xi32>
        %gather3A_659 = tpu.vector_load_idx %arg6[%sub3A_658] masked %ge3A_655 : memref<49952xf32, #tpu.memory_space<vmem>>[vector<16xi32>], vector<16xf32>, vector<16xi1>
        %get3A_660 = arith.index_cast %mul3A_649 : i32 to index
        %get3A_661 = tpu.vector_load %arg8[%get3A_660] {strides = array<i32>} : memref<4096xf32, #tpu.memory_space<vmem>>, vector<16xf32>,
        %select_n3A_662 = arith.select %ge3A_655, %gather3A_659, %get3A_661 : vector<16xi1>, vector<16xf32>
        %swap3A_663 = arith.index_cast %mul3A_649 : i32 to index
        %swap3A_664 = tpu.vector_load %arg8[%swap3A_663] {strides = array<i32>} : memref<4096xf32, #tpu.memory_space<vmem>>, vector<16xf32>,
        tpu.vector_store %arg8[%swap3A_663], %select_n3A_662 {strides = array<i32>} : memref<4096xf32, #tpu.memory_space<vmem>>, vector<16xf32>,
        %mul3A_665 = arith.constant 16 : i32
        %mul3A_666 = arith.muli %scan3A_603, %mul3A_665 : i32
        %add3A_667 = arith.constant 3 : i32
        %add3A_668 = arith.addi %mul3A_666, %add3A_667 : i32
        %mul3A_669 = arith.constant 16 : i32
        %mul3A_670 = arith.muli %add3A_668, %mul3A_669 : i32
        %add3A_671 = arith.addi %mul3A_360, %mul3A_670 : i32
        %get3A_672 = arith.index_cast %add3A_671 : i32 to index
        %get3A_673 = tpu.vector_load %arg7[%get3A_672] {strides = array<i32>} : memref<8192xi32, #tpu.memory_space<vmem>>, vector<16xi32>,
        %ge3A_674 = arith.constant 50048 : i32
        %ge3A_675 = vector.broadcast %ge3A_674 : i32 to vector<16xi32>
        %ge3A_676 = arith.cmpi sge, %get3A_673, %ge3A_675 : vector<16xi32>
        %sub3A_677 = arith.constant 50048 : i32
        %sub3A_678 = vector.broadcast %sub3A_677 : i32 to vector<16xi32>
        %sub3A_679 = arith.subi %get3A_673, %sub3A_678 : vector<16xi32>
        %gather3A_680 = tpu.vector_load_idx %arg6[%sub3A_679] masked %ge3A_676 : memref<49952xf32, #tpu.memory_space<vmem>>[vector<16xi32>], vector<16xf32>, vector<16xi1>
        %get3A_681 = arith.index_cast %mul3A_670 : i32 to index
        %get3A_682 = tpu.vector_load %arg8[%get3A_681] {strides = array<i32>} : memref<4096xf32, #tpu.memory_space<vmem>>, vector<16xf32>,
        %select_n3A_683 = arith.select %ge3A_676, %gather3A_680, %get3A_682 : vector<16xi1>, vector<16xf32>
        %swap3A_684 = arith.index_cast %mul3A_670 : i32 to index
        %swap3A_685 = tpu.vector_load %arg8[%swap3A_684] {strides = array<i32>} : memref<4096xf32, #tpu.memory_space<vmem>>, vector<16xf32>,
        tpu.vector_store %arg8[%swap3A_684], %select_n3A_683 {strides = array<i32>} : memref<4096xf32, #tpu.memory_space<vmem>>, vector<16xf32>,
        %mul3A_686 = arith.constant 16 : i32
        %mul3A_687 = arith.muli %scan3A_603, %mul3A_686 : i32
        %add3A_688 = arith.constant 4 : i32
        %add3A_689 = arith.addi %mul3A_687, %add3A_688 : i32
        %mul3A_690 = arith.constant 16 : i32
        %mul3A_691 = arith.muli %add3A_689, %mul3A_690 : i32
        %add3A_692 = arith.addi %mul3A_360, %mul3A_691 : i32
        %get3A_693 = arith.index_cast %add3A_692 : i32 to index
        %get3A_694 = tpu.vector_load %arg7[%get3A_693] {strides = array<i32>} : memref<8192xi32, #tpu.memory_space<vmem>>, vector<16xi32>,
        %ge3A_695 = arith.constant 50048 : i32
        %ge3A_696 = vector.broadcast %ge3A_695 : i32 to vector<16xi32>
        %ge3A_697 = arith.cmpi sge, %get3A_694, %ge3A_696 : vector<16xi32>
        %sub3A_698 = arith.constant 50048 : i32
        %sub3A_699 = vector.broadcast %sub3A_698 : i32 to vector<16xi32>
        %sub3A_700 = arith.subi %get3A_694, %sub3A_699 : vector<16xi32>
        %gather3A_701 = tpu.vector_load_idx %arg6[%sub3A_700] masked %ge3A_697 : memref<49952xf32, #tpu.memory_space<vmem>>[vector<16xi32>], vector<16xf32>, vector<16xi1>
        %get3A_702 = arith.index_cast %mul3A_691 : i32 to index
        %get3A_703 = tpu.vector_load %arg8[%get3A_702] {strides = array<i32>} : memref<4096xf32, #tpu.memory_space<vmem>>, vector<16xf32>,
        %select_n3A_704 = arith.select %ge3A_697, %gather3A_701, %get3A_703 : vector<16xi1>, vector<16xf32>
        %swap3A_705 = arith.index_cast %mul3A_691 : i32 to index
        %swap3A_706 = tpu.vector_load %arg8[%swap3A_705] {strides = array<i32>} : memref<4096xf32, #tpu.memory_space<vmem>>, vector<16xf32>,
        tpu.vector_store %arg8[%swap3A_705], %select_n3A_704 {strides = array<i32>} : memref<4096xf32, #tpu.memory_space<vmem>>, vector<16xf32>,
        %mul3A_707 = arith.constant 16 : i32
        %mul3A_708 = arith.muli %scan3A_603, %mul3A_707 : i32
        %add3A_709 = arith.constant 5 : i32
        %add3A_710 = arith.addi %mul3A_708, %add3A_709 : i32
        %mul3A_711 = arith.constant 16 : i32
        %mul3A_712 = arith.muli %add3A_710, %mul3A_711 : i32
        %add3A_713 = arith.addi %mul3A_360, %mul3A_712 : i32
        %get3A_714 = arith.index_cast %add3A_713 : i32 to index
        %get3A_715 = tpu.vector_load %arg7[%get3A_714] {strides = array<i32>} : memref<8192xi32, #tpu.memory_space<vmem>>, vector<16xi32>,
        %ge3A_716 = arith.constant 50048 : i32
        %ge3A_717 = vector.broadcast %ge3A_716 : i32 to vector<16xi32>
        %ge3A_718 = arith.cmpi sge, %get3A_715, %ge3A_717 : vector<16xi32>
        %sub3A_719 = arith.constant 50048 : i32
        %sub3A_720 = vector.broadcast %sub3A_719 : i32 to vector<16xi32>
        %sub3A_721 = arith.subi %get3A_715, %sub3A_720 : vector<16xi32>
        %gather3A_722 = tpu.vector_load_idx %arg6[%sub3A_721] masked %ge3A_718 : memref<49952xf32, #tpu.memory_space<vmem>>[vector<16xi32>], vector<16xf32>, vector<16xi1>
        %get3A_723 = arith.index_cast %mul3A_712 : i32 to index
        %get3A_724 = tpu.vector_load %arg8[%get3A_723] {strides = array<i32>} : memref<4096xf32, #tpu.memory_space<vmem>>, vector<16xf32>,
        %select_n3A_725 = arith.select %ge3A_718, %gather3A_722, %get3A_724 : vector<16xi1>, vector<16xf32>
        %swap3A_726 = arith.index_cast %mul3A_712 : i32 to index
        %swap3A_727 = tpu.vector_load %arg8[%swap3A_726] {strides = array<i32>} : memref<4096xf32, #tpu.memory_space<vmem>>, vector<16xf32>,
        tpu.vector_store %arg8[%swap3A_726], %select_n3A_725 {strides = array<i32>} : memref<4096xf32, #tpu.memory_space<vmem>>, vector<16xf32>,
        %mul3A_728 = arith.constant 16 : i32
        %mul3A_729 = arith.muli %scan3A_603, %mul3A_728 : i32
        %add3A_730 = arith.constant 6 : i32
        %add3A_731 = arith.addi %mul3A_729, %add3A_730 : i32
        %mul3A_732 = arith.constant 16 : i32
        %mul3A_733 = arith.muli %add3A_731, %mul3A_732 : i32
        %add3A_734 = arith.addi %mul3A_360, %mul3A_733 : i32
        %get3A_735 = arith.index_cast %add3A_734 : i32 to index
        %get3A_736 = tpu.vector_load %arg7[%get3A_735] {strides = array<i32>} : memref<8192xi32, #tpu.memory_space<vmem>>, vector<16xi32>,
        %ge3A_737 = arith.constant 50048 : i32
        %ge3A_738 = vector.broadcast %ge3A_737 : i32 to vector<16xi32>
        %ge3A_739 = arith.cmpi sge, %get3A_736, %ge3A_738 : vector<16xi32>
        %sub3A_740 = arith.constant 50048 : i32
        %sub3A_741 = vector.broadcast %sub3A_740 : i32 to vector<16xi32>
        %sub3A_742 = arith.subi %get3A_736, %sub3A_741 : vector<16xi32>
        %gather3A_743 = tpu.vector_load_idx %arg6[%sub3A_742] masked %ge3A_739 : memref<49952xf32, #tpu.memory_space<vmem>>[vector<16xi32>], vector<16xf32>, vector<16xi1>
        %get3A_744 = arith.index_cast %mul3A_733 : i32 to index
        %get3A_745 = tpu.vector_load %arg8[%get3A_744] {strides = array<i32>} : memref<4096xf32, #tpu.memory_space<vmem>>, vector<16xf32>,
        %select_n3A_746 = arith.select %ge3A_739, %gather3A_743, %get3A_745 : vector<16xi1>, vector<16xf32>
        %swap3A_747 = arith.index_cast %mul3A_733 : i32 to index
        %swap3A_748 = tpu.vector_load %arg8[%swap3A_747] {strides = array<i32>} : memref<4096xf32, #tpu.memory_space<vmem>>, vector<16xf32>,
        tpu.vector_store %arg8[%swap3A_747], %select_n3A_746 {strides = array<i32>} : memref<4096xf32, #tpu.memory_space<vmem>>, vector<16xf32>,
        %mul3A_749 = arith.constant 16 : i32
        %mul3A_750 = arith.muli %scan3A_603, %mul3A_749 : i32
        %add3A_751 = arith.constant 7 : i32
        %add3A_752 = arith.addi %mul3A_750, %add3A_751 : i32
        %mul3A_753 = arith.constant 16 : i32
        %mul3A_754 = arith.muli %add3A_752, %mul3A_753 : i32
        %add3A_755 = arith.addi %mul3A_360, %mul3A_754 : i32
        %get3A_756 = arith.index_cast %add3A_755 : i32 to index
        %get3A_757 = tpu.vector_load %arg7[%get3A_756] {strides = array<i32>} : memref<8192xi32, #tpu.memory_space<vmem>>, vector<16xi32>,
        %ge3A_758 = arith.constant 50048 : i32
        %ge3A_759 = vector.broadcast %ge3A_758 : i32 to vector<16xi32>
        %ge3A_760 = arith.cmpi sge, %get3A_757, %ge3A_759 : vector<16xi32>
        %sub3A_761 = arith.constant 50048 : i32
        %sub3A_762 = vector.broadcast %sub3A_761 : i32 to vector<16xi32>
        %sub3A_763 = arith.subi %get3A_757, %sub3A_762 : vector<16xi32>
        %gather3A_764 = tpu.vector_load_idx %arg6[%sub3A_763] masked %ge3A_760 : memref<49952xf32, #tpu.memory_space<vmem>>[vector<16xi32>], vector<16xf32>, vector<16xi1>
        %get3A_765 = arith.index_cast %mul3A_754 : i32 to index
        %get3A_766 = tpu.vector_load %arg8[%get3A_765] {strides = array<i32>} : memref<4096xf32, #tpu.memory_space<vmem>>, vector<16xf32>,
        %select_n3A_767 = arith.select %ge3A_760, %gather3A_764, %get3A_766 : vector<16xi1>, vector<16xf32>
        %swap3A_768 = arith.index_cast %mul3A_754 : i32 to index
        %swap3A_769 = tpu.vector_load %arg8[%swap3A_768] {strides = array<i32>} : memref<4096xf32, #tpu.memory_space<vmem>>, vector<16xf32>,
        tpu.vector_store %arg8[%swap3A_768], %select_n3A_767 {strides = array<i32>} : memref<4096xf32, #tpu.memory_space<vmem>>, vector<16xf32>,
        %mul3A_770 = arith.constant 16 : i32
        %mul3A_771 = arith.muli %scan3A_603, %mul3A_770 : i32
        %add3A_772 = arith.constant 8 : i32
        %add3A_773 = arith.addi %mul3A_771, %add3A_772 : i32
        %mul3A_774 = arith.constant 16 : i32
        %mul3A_775 = arith.muli %add3A_773, %mul3A_774 : i32
        %add3A_776 = arith.addi %mul3A_360, %mul3A_775 : i32
        %get3A_777 = arith.index_cast %add3A_776 : i32 to index
        %get3A_778 = tpu.vector_load %arg7[%get3A_777] {strides = array<i32>} : memref<8192xi32, #tpu.memory_space<vmem>>, vector<16xi32>,
        %ge3A_779 = arith.constant 50048 : i32
        %ge3A_780 = vector.broadcast %ge3A_779 : i32 to vector<16xi32>
        %ge3A_781 = arith.cmpi sge, %get3A_778, %ge3A_780 : vector<16xi32>
        %sub3A_782 = arith.constant 50048 : i32
        %sub3A_783 = vector.broadcast %sub3A_782 : i32 to vector<16xi32>
        %sub3A_784 = arith.subi %get3A_778, %sub3A_783 : vector<16xi32>
        %gather3A_785 = tpu.vector_load_idx %arg6[%sub3A_784] masked %ge3A_781 : memref<49952xf32, #tpu.memory_space<vmem>>[vector<16xi32>], vector<16xf32>, vector<16xi1>
        %get3A_786 = arith.index_cast %mul3A_775 : i32 to index
        %get3A_787 = tpu.vector_load %arg8[%get3A_786] {strides = array<i32>} : memref<4096xf32, #tpu.memory_space<vmem>>, vector<16xf32>,
        %select_n3A_788 = arith.select %ge3A_781, %gather3A_785, %get3A_787 : vector<16xi1>, vector<16xf32>
        %swap3A_789 = arith.index_cast %mul3A_775 : i32 to index
        %swap3A_790 = tpu.vector_load %arg8[%swap3A_789] {strides = array<i32>} : memref<4096xf32, #tpu.memory_space<vmem>>, vector<16xf32>,
        tpu.vector_store %arg8[%swap3A_789], %select_n3A_788 {strides = array<i32>} : memref<4096xf32, #tpu.memory_space<vmem>>, vector<16xf32>,
        %mul3A_791 = arith.constant 16 : i32
        %mul3A_792 = arith.muli %scan3A_603, %mul3A_791 : i32
        %add3A_793 = arith.constant 9 : i32
        %add3A_794 = arith.addi %mul3A_792, %add3A_793 : i32
        %mul3A_795 = arith.constant 16 : i32
        %mul3A_796 = arith.muli %add3A_794, %mul3A_795 : i32
        %add3A_797 = arith.addi %mul3A_360, %mul3A_796 : i32
        %get3A_798 = arith.index_cast %add3A_797 : i32 to index
        %get3A_799 = tpu.vector_load %arg7[%get3A_798] {strides = array<i32>} : memref<8192xi32, #tpu.memory_space<vmem>>, vector<16xi32>,
        %ge3A_800 = arith.constant 50048 : i32
        %ge3A_801 = vector.broadcast %ge3A_800 : i32 to vector<16xi32>
        %ge3A_802 = arith.cmpi sge, %get3A_799, %ge3A_801 : vector<16xi32>
        %sub3A_803 = arith.constant 50048 : i32
        %sub3A_804 = vector.broadcast %sub3A_803 : i32 to vector<16xi32>
        %sub3A_805 = arith.subi %get3A_799, %sub3A_804 : vector<16xi32>
        %gather3A_806 = tpu.vector_load_idx %arg6[%sub3A_805] masked %ge3A_802 : memref<49952xf32, #tpu.memory_space<vmem>>[vector<16xi32>], vector<16xf32>, vector<16xi1>
        %get3A_807 = arith.index_cast %mul3A_796 : i32 to index
        %get3A_808 = tpu.vector_load %arg8[%get3A_807] {strides = array<i32>} : memref<4096xf32, #tpu.memory_space<vmem>>, vector<16xf32>,
        %select_n3A_809 = arith.select %ge3A_802, %gather3A_806, %get3A_808 : vector<16xi1>, vector<16xf32>
        %swap3A_810 = arith.index_cast %mul3A_796 : i32 to index
        %swap3A_811 = tpu.vector_load %arg8[%swap3A_810] {strides = array<i32>} : memref<4096xf32, #tpu.memory_space<vmem>>, vector<16xf32>,
        tpu.vector_store %arg8[%swap3A_810], %select_n3A_809 {strides = array<i32>} : memref<4096xf32, #tpu.memory_space<vmem>>, vector<16xf32>,
        %mul3A_812 = arith.constant 16 : i32
        %mul3A_813 = arith.muli %scan3A_603, %mul3A_812 : i32
        %add3A_814 = arith.constant 10 : i32
        %add3A_815 = arith.addi %mul3A_813, %add3A_814 : i32
        %mul3A_816 = arith.constant 16 : i32
        %mul3A_817 = arith.muli %add3A_815, %mul3A_816 : i32
        %add3A_818 = arith.addi %mul3A_360, %mul3A_817 : i32
        %get3A_819 = arith.index_cast %add3A_818 : i32 to index
        %get3A_820 = tpu.vector_load %arg7[%get3A_819] {strides = array<i32>} : memref<8192xi32, #tpu.memory_space<vmem>>, vector<16xi32>,
        %ge3A_821 = arith.constant 50048 : i32
        %ge3A_822 = vector.broadcast %ge3A_821 : i32 to vector<16xi32>
        %ge3A_823 = arith.cmpi sge, %get3A_820, %ge3A_822 : vector<16xi32>
        %sub3A_824 = arith.constant 50048 : i32
        %sub3A_825 = vector.broadcast %sub3A_824 : i32 to vector<16xi32>
        %sub3A_826 = arith.subi %get3A_820, %sub3A_825 : vector<16xi32>
        %gather3A_827 = tpu.vector_load_idx %arg6[%sub3A_826] masked %ge3A_823 : memref<49952xf32, #tpu.memory_space<vmem>>[vector<16xi32>], vector<16xf32>, vector<16xi1>
        %get3A_828 = arith.index_cast %mul3A_817 : i32 to index
        %get3A_829 = tpu.vector_load %arg8[%get3A_828] {strides = array<i32>} : memref<4096xf32, #tpu.memory_space<vmem>>, vector<16xf32>,
        %select_n3A_830 = arith.select %ge3A_823, %gather3A_827, %get3A_829 : vector<16xi1>, vector<16xf32>
        %swap3A_831 = arith.index_cast %mul3A_817 : i32 to index
        %swap3A_832 = tpu.vector_load %arg8[%swap3A_831] {strides = array<i32>} : memref<4096xf32, #tpu.memory_space<vmem>>, vector<16xf32>,
        tpu.vector_store %arg8[%swap3A_831], %select_n3A_830 {strides = array<i32>} : memref<4096xf32, #tpu.memory_space<vmem>>, vector<16xf32>,
        %mul3A_833 = arith.constant 16 : i32
        %mul3A_834 = arith.muli %scan3A_603, %mul3A_833 : i32
        %add3A_835 = arith.constant 11 : i32
        %add3A_836 = arith.addi %mul3A_834, %add3A_835 : i32
        %mul3A_837 = arith.constant 16 : i32
        %mul3A_838 = arith.muli %add3A_836, %mul3A_837 : i32
        %add3A_839 = arith.addi %mul3A_360, %mul3A_838 : i32
        %get3A_840 = arith.index_cast %add3A_839 : i32 to index
        %get3A_841 = tpu.vector_load %arg7[%get3A_840] {strides = array<i32>} : memref<8192xi32, #tpu.memory_space<vmem>>, vector<16xi32>,
        %ge3A_842 = arith.constant 50048 : i32
        %ge3A_843 = vector.broadcast %ge3A_842 : i32 to vector<16xi32>
        %ge3A_844 = arith.cmpi sge, %get3A_841, %ge3A_843 : vector<16xi32>
        %sub3A_845 = arith.constant 50048 : i32
        %sub3A_846 = vector.broadcast %sub3A_845 : i32 to vector<16xi32>
        %sub3A_847 = arith.subi %get3A_841, %sub3A_846 : vector<16xi32>
        %gather3A_848 = tpu.vector_load_idx %arg6[%sub3A_847] masked %ge3A_844 : memref<49952xf32, #tpu.memory_space<vmem>>[vector<16xi32>], vector<16xf32>, vector<16xi1>
        %get3A_849 = arith.index_cast %mul3A_838 : i32 to index
        %get3A_850 = tpu.vector_load %arg8[%get3A_849] {strides = array<i32>} : memref<4096xf32, #tpu.memory_space<vmem>>, vector<16xf32>,
        %select_n3A_851 = arith.select %ge3A_844, %gather3A_848, %get3A_850 : vector<16xi1>, vector<16xf32>
        %swap3A_852 = arith.index_cast %mul3A_838 : i32 to index
        %swap3A_853 = tpu.vector_load %arg8[%swap3A_852] {strides = array<i32>} : memref<4096xf32, #tpu.memory_space<vmem>>, vector<16xf32>,
        tpu.vector_store %arg8[%swap3A_852], %select_n3A_851 {strides = array<i32>} : memref<4096xf32, #tpu.memory_space<vmem>>, vector<16xf32>,
        %mul3A_854 = arith.constant 16 : i32
        %mul3A_855 = arith.muli %scan3A_603, %mul3A_854 : i32
        %add3A_856 = arith.constant 12 : i32
        %add3A_857 = arith.addi %mul3A_855, %add3A_856 : i32
        %mul3A_858 = arith.constant 16 : i32
        %mul3A_859 = arith.muli %add3A_857, %mul3A_858 : i32
        %add3A_860 = arith.addi %mul3A_360, %mul3A_859 : i32
        %get3A_861 = arith.index_cast %add3A_860 : i32 to index
        %get3A_862 = tpu.vector_load %arg7[%get3A_861] {strides = array<i32>} : memref<8192xi32, #tpu.memory_space<vmem>>, vector<16xi32>,
        %ge3A_863 = arith.constant 50048 : i32
        %ge3A_864 = vector.broadcast %ge3A_863 : i32 to vector<16xi32>
        %ge3A_865 = arith.cmpi sge, %get3A_862, %ge3A_864 : vector<16xi32>
        %sub3A_866 = arith.constant 50048 : i32
        %sub3A_867 = vector.broadcast %sub3A_866 : i32 to vector<16xi32>
        %sub3A_868 = arith.subi %get3A_862, %sub3A_867 : vector<16xi32>
        %gather3A_869 = tpu.vector_load_idx %arg6[%sub3A_868] masked %ge3A_865 : memref<49952xf32, #tpu.memory_space<vmem>>[vector<16xi32>], vector<16xf32>, vector<16xi1>
        %get3A_870 = arith.index_cast %mul3A_859 : i32 to index
        %get3A_871 = tpu.vector_load %arg8[%get3A_870] {strides = array<i32>} : memref<4096xf32, #tpu.memory_space<vmem>>, vector<16xf32>,
        %select_n3A_872 = arith.select %ge3A_865, %gather3A_869, %get3A_871 : vector<16xi1>, vector<16xf32>
        %swap3A_873 = arith.index_cast %mul3A_859 : i32 to index
        %swap3A_874 = tpu.vector_load %arg8[%swap3A_873] {strides = array<i32>} : memref<4096xf32, #tpu.memory_space<vmem>>, vector<16xf32>,
        tpu.vector_store %arg8[%swap3A_873], %select_n3A_872 {strides = array<i32>} : memref<4096xf32, #tpu.memory_space<vmem>>, vector<16xf32>,
        %mul3A_875 = arith.constant 16 : i32
        %mul3A_876 = arith.muli %scan3A_603, %mul3A_875 : i32
        %add3A_877 = arith.constant 13 : i32
        %add3A_878 = arith.addi %mul3A_876, %add3A_877 : i32
        %mul3A_879 = arith.constant 16 : i32
        %mul3A_880 = arith.muli %add3A_878, %mul3A_879 : i32
        %add3A_881 = arith.addi %mul3A_360, %mul3A_880 : i32
        %get3A_882 = arith.index_cast %add3A_881 : i32 to index
        %get3A_883 = tpu.vector_load %arg7[%get3A_882] {strides = array<i32>} : memref<8192xi32, #tpu.memory_space<vmem>>, vector<16xi32>,
        %ge3A_884 = arith.constant 50048 : i32
        %ge3A_885 = vector.broadcast %ge3A_884 : i32 to vector<16xi32>
        %ge3A_886 = arith.cmpi sge, %get3A_883, %ge3A_885 : vector<16xi32>
        %sub3A_887 = arith.constant 50048 : i32
        %sub3A_888 = vector.broadcast %sub3A_887 : i32 to vector<16xi32>
        %sub3A_889 = arith.subi %get3A_883, %sub3A_888 : vector<16xi32>
        %gather3A_890 = tpu.vector_load_idx %arg6[%sub3A_889] masked %ge3A_886 : memref<49952xf32, #tpu.memory_space<vmem>>[vector<16xi32>], vector<16xf32>, vector<16xi1>
        %get3A_891 = arith.index_cast %mul3A_880 : i32 to index
        %get3A_892 = tpu.vector_load %arg8[%get3A_891] {strides = array<i32>} : memref<4096xf32, #tpu.memory_space<vmem>>, vector<16xf32>,
        %select_n3A_893 = arith.select %ge3A_886, %gather3A_890, %get3A_892 : vector<16xi1>, vector<16xf32>
        %swap3A_894 = arith.index_cast %mul3A_880 : i32 to index
        %swap3A_895 = tpu.vector_load %arg8[%swap3A_894] {strides = array<i32>} : memref<4096xf32, #tpu.memory_space<vmem>>, vector<16xf32>,
        tpu.vector_store %arg8[%swap3A_894], %select_n3A_893 {strides = array<i32>} : memref<4096xf32, #tpu.memory_space<vmem>>, vector<16xf32>,
        %mul3A_896 = arith.constant 16 : i32
        %mul3A_897 = arith.muli %scan3A_603, %mul3A_896 : i32
        %add3A_898 = arith.constant 14 : i32
        %add3A_899 = arith.addi %mul3A_897, %add3A_898 : i32
        %mul3A_900 = arith.constant 16 : i32
        %mul3A_901 = arith.muli %add3A_899, %mul3A_900 : i32
        %add3A_902 = arith.addi %mul3A_360, %mul3A_901 : i32
        %get3A_903 = arith.index_cast %add3A_902 : i32 to index
        %get3A_904 = tpu.vector_load %arg7[%get3A_903] {strides = array<i32>} : memref<8192xi32, #tpu.memory_space<vmem>>, vector<16xi32>,
        %ge3A_905 = arith.constant 50048 : i32
        %ge3A_906 = vector.broadcast %ge3A_905 : i32 to vector<16xi32>
        %ge3A_907 = arith.cmpi sge, %get3A_904, %ge3A_906 : vector<16xi32>
        %sub3A_908 = arith.constant 50048 : i32
        %sub3A_909 = vector.broadcast %sub3A_908 : i32 to vector<16xi32>
        %sub3A_910 = arith.subi %get3A_904, %sub3A_909 : vector<16xi32>
        %gather3A_911 = tpu.vector_load_idx %arg6[%sub3A_910] masked %ge3A_907 : memref<49952xf32, #tpu.memory_space<vmem>>[vector<16xi32>], vector<16xf32>, vector<16xi1>
        %get3A_912 = arith.index_cast %mul3A_901 : i32 to index
        %get3A_913 = tpu.vector_load %arg8[%get3A_912] {strides = array<i32>} : memref<4096xf32, #tpu.memory_space<vmem>>, vector<16xf32>,
        %select_n3A_914 = arith.select %ge3A_907, %gather3A_911, %get3A_913 : vector<16xi1>, vector<16xf32>
        %swap3A_915 = arith.index_cast %mul3A_901 : i32 to index
        %swap3A_916 = tpu.vector_load %arg8[%swap3A_915] {strides = array<i32>} : memref<4096xf32, #tpu.memory_space<vmem>>, vector<16xf32>,
        tpu.vector_store %arg8[%swap3A_915], %select_n3A_914 {strides = array<i32>} : memref<4096xf32, #tpu.memory_space<vmem>>, vector<16xf32>,
        %mul3A_917 = arith.constant 16 : i32
        %mul3A_918 = arith.muli %scan3A_603, %mul3A_917 : i32
        %add3A_919 = arith.constant 15 : i32
        %add3A_920 = arith.addi %mul3A_918, %add3A_919 : i32
        %mul3A_921 = arith.constant 16 : i32
        %mul3A_922 = arith.muli %add3A_920, %mul3A_921 : i32
        %add3A_923 = arith.addi %mul3A_360, %mul3A_922 : i32
        %get3A_924 = arith.index_cast %add3A_923 : i32 to index
        %get3A_925 = tpu.vector_load %arg7[%get3A_924] {strides = array<i32>} : memref<8192xi32, #tpu.memory_space<vmem>>, vector<16xi32>,
        %ge3A_926 = arith.constant 50048 : i32
        %ge3A_927 = vector.broadcast %ge3A_926 : i32 to vector<16xi32>
        %ge3A_928 = arith.cmpi sge, %get3A_925, %ge3A_927 : vector<16xi32>
        %sub3A_929 = arith.constant 50048 : i32
        %sub3A_930 = vector.broadcast %sub3A_929 : i32 to vector<16xi32>
        %sub3A_931 = arith.subi %get3A_925, %sub3A_930 : vector<16xi32>
        %gather3A_932 = tpu.vector_load_idx %arg6[%sub3A_931] masked %ge3A_928 : memref<49952xf32, #tpu.memory_space<vmem>>[vector<16xi32>], vector<16xf32>, vector<16xi1>
        %get3A_933 = arith.index_cast %mul3A_922 : i32 to index
        %get3A_934 = tpu.vector_load %arg8[%get3A_933] {strides = array<i32>} : memref<4096xf32, #tpu.memory_space<vmem>>, vector<16xf32>,
        %select_n3A_935 = arith.select %ge3A_928, %gather3A_932, %get3A_934 : vector<16xi1>, vector<16xf32>
        %swap3A_936 = arith.index_cast %mul3A_922 : i32 to index
        %swap3A_937 = tpu.vector_load %arg8[%swap3A_936] {strides = array<i32>} : memref<4096xf32, #tpu.memory_space<vmem>>, vector<16xf32>,
        tpu.vector_store %arg8[%swap3A_936], %select_n3A_935 {strides = array<i32>} : memref<4096xf32, #tpu.memory_space<vmem>>, vector<16xf32>,
        %scan3A_938 = arith.constant 0 : i32
        scf.yield %scan3A_938 : i32
      }
      %scan3A_367 = arith.constant 16 : i32
      %jit3A_368 = arith.constant 64 : i32
      %div3A_369 = arith.divsi %add3A_161, %jit3A_368 : i32
      %sign3A_370 = arith.constant 0 : i32
      %sign3A_371 = arith.cmpi sgt, %add3A_161, %sign3A_370 : i32
      %sign3A_372 = arith.extui %sign3A_371 : i1 to i32
      %sign3A_373 = arith.constant 0 : i32
      %sign3A_374 = arith.cmpi slt, %add3A_161, %sign3A_373 : i32
      %sign3A_375 = arith.extui %sign3A_374 : i1 to i32
      %sign3A_376 = arith.subi %sign3A_372, %sign3A_375 : i32
      %sign3A_377 = arith.constant 0 : i32
      %sign3A_378 = arith.cmpi sgt, %jit3A_368, %sign3A_377 : i32
      %sign3A_379 = arith.extui %sign3A_378 : i1 to i32
      %sign3A_380 = arith.constant 0 : i32
      %sign3A_381 = arith.cmpi slt, %jit3A_368, %sign3A_380 : i32
      %sign3A_382 = arith.extui %sign3A_381 : i1 to i32
      %sign3A_383 = arith.subi %sign3A_379, %sign3A_382 : i32
      %ne3A_384 = arith.cmpi ne, %sign3A_376, %sign3A_383 : i32
      %rem3A_385 = arith.remsi %add3A_161, %jit3A_368 : i32
      %ne3A_386 = arith.constant 0 : i32
      %ne3A_387 = arith.cmpi ne, %rem3A_385, %ne3A_386 : i32
      %and3A_388 = arith.andi %ne3A_384, %ne3A_387 : i1
      %sub3A_389 = arith.constant 1 : i32
      %sub3A_390 = arith.subi %div3A_369, %sub3A_389 : i32
      %select_n3A_391 = arith.select %and3A_388, %sub3A_390, %div3A_369 : i32
      %jit3A_392 = arith.constant 64 : i32
      %eq3A_393 = arith.constant 0 : i32
      %eq3A_394 = arith.cmpi eq, %jit3A_392, %eq3A_393 : i32
      %jit3A_395 = arith.constant 1 : i32
      %select_n3A_396 = arith.select %eq3A_394, %jit3A_395, %jit3A_392 : i32
      %rem3A_397 = arith.remsi %add3A_161, %select_n3A_396 : i32
      %ne3A_398 = arith.constant 0 : i32
      %ne3A_399 = arith.cmpi ne, %rem3A_397, %ne3A_398 : i32
      %lt3A_400 = arith.constant 0 : i32
      %lt3A_401 = arith.cmpi slt, %rem3A_397, %lt3A_400 : i32
      %lt3A_402 = arith.constant 0 : i32
      %lt3A_403 = arith.cmpi slt, %select_n3A_396, %lt3A_402 : i32
      %ne3A_404 = arith.xori %lt3A_401, %lt3A_403 : i1
      %and3A_405 = arith.andi %ne3A_404, %ne3A_399 : i1
      %add3A_406 = arith.addi %rem3A_397, %select_n3A_396 : i32
      %select_n3A_407 = arith.select %and3A_405, %add3A_406, %rem3A_397 : i32
      %dma_start3A_408 = arith.constant 50048 : i32
      %dma_start3A_409 = tpu.memref_slice %arg3[%select_n3A_391, %select_n3A_407, %dma_start3A_408] : memref<26x64x100000xf32, #tpu.memory_space<hbm>> -> memref<1x1x49952xf32, #tpu.memory_space<hbm>>
      %dma_start3A_410 = tpu.memref_squeeze %dma_start3A_409 : memref<1x1x49952xf32, #tpu.memory_space<hbm>> -> memref<49952xf32, #tpu.memory_space<hbm>>
      %dma_start3A_411 = arith.constant 50048 : i32
      %dma_start3A_412 = tpu.memref_slice %arg3[%select_n3A_391, %select_n3A_407, %dma_start3A_411] : memref<26x64x100000xf32, #tpu.memory_space<hbm>> -> memref<1x1x49952xf32, #tpu.memory_space<hbm>>
      %dma_start3A_413 = tpu.memref_squeeze %dma_start3A_412 : memref<1x1x49952xf32, #tpu.memory_space<hbm>> -> memref<49952xf32, #tpu.memory_space<hbm>>
      tpu.enqueue_dma source(%dma_start3A_413 : memref<49952xf32, #tpu.memory_space<hbm>>) target(%arg6 : memref<49952xf32, #tpu.memory_space<vmem>>) target_semaphore(%arg11 : memref<!tpu.dma_semaphore, #tpu.memory_space<semaphore_mem>>)
      %dma_start3A_414 = arith.constant 0 : i32
      %dma_start3A_415 = tpu.memref_slice %arg4[%add3A_157, %dma_start3A_414] : memref<1664x4096xf32, #tpu.memory_space<hbm>> -> memref<1x4096xf32, #tpu.memory_space<hbm>>
      %dma_start3A_416 = tpu.memref_squeeze %dma_start3A_415 : memref<1x4096xf32, #tpu.memory_space<hbm>> -> memref<4096xf32, #tpu.memory_space<hbm>>
      %dma_start3A_417 = arith.constant 0 : i32
      %dma_start3A_418 = tpu.memref_slice %arg4[%add3A_157, %dma_start3A_417] : memref<1664x4096xf32, #tpu.memory_space<hbm>> -> memref<1x4096xf32, #tpu.memory_space<hbm>>
      %dma_start3A_419 = tpu.memref_squeeze %dma_start3A_418 : memref<1x4096xf32, #tpu.memory_space<hbm>> -> memref<4096xf32, #tpu.memory_space<hbm>>
      tpu.enqueue_dma source(%arg8 : memref<4096xf32, #tpu.memory_space<vmem>>) target(%dma_start3A_419 : memref<4096xf32, #tpu.memory_space<hbm>>) target_semaphore(%arg12 : memref<!tpu.dma_semaphore, #tpu.memory_space<semaphore_mem>>)
      %ge3A_420 = arith.constant 1 : i32
      %ge3A_421 = arith.cmpi sge, %scan3A_153, %ge3A_420 : i32
      %convert_element_type3A_422 = arith.extui %ge3A_421 : i1 to i32
      %cond3A_423 = arith.constant 0 : i32
      %cond3A_424 = arith.cmpi ne, %convert_element_type3A_422, %cond3A_423 : i32
      scf.if %cond3A_424 {
        %dma_wait3A_603 = arith.constant 0 : i32
        %dma_wait3A_604 = tpu.memref_slice %arg4[%add3A_157, %dma_wait3A_603] : memref<1664x4096xf32, #tpu.memory_space<hbm>> -> memref<1x4096xf32, #tpu.memory_space<hbm>>
        %dma_wait3A_605 = tpu.memref_squeeze %dma_wait3A_604 : memref<1x4096xf32, #tpu.memory_space<hbm>> -> memref<4096xf32, #tpu.memory_space<hbm>>
        %dma_wait3A_606 = arith.constant 0 : i32
        %dma_wait3A_607 = tpu.memref_slice %arg4[%add3A_157, %dma_wait3A_606] : memref<1664x4096xf32, #tpu.memory_space<hbm>> -> memref<1x4096xf32, #tpu.memory_space<hbm>>
        %dma_wait3A_608 = tpu.memref_squeeze %dma_wait3A_607 : memref<1x4096xf32, #tpu.memory_space<hbm>> -> memref<4096xf32, #tpu.memory_space<hbm>>
        tpu.wait_dma2 semaphore(%arg13 : memref<!tpu.dma_semaphore, #tpu.memory_space<semaphore_mem>>) src(%arg9 : memref<4096xf32, #tpu.memory_space<vmem>>) dst(%dma_wait3A_608 : memref<4096xf32, #tpu.memory_space<hbm>>)
      } else {
      }
      %add3A_425 = arith.constant 1 : i32
      %add3A_426 = arith.addi %add3A_157, %add3A_425 : i32
      %add3A_427 = arith.constant 2 : i32
      %add3A_428 = arith.addi %add3A_157, %add3A_427 : i32
      %le3A = arith.constant 24 : i32
      %le3A_429 = arith.cmpi sle, %scan3A_153, %le3A : i32
      %jit3A_430 = arith.constant 64 : i32
      %div3A_431 = arith.divsi %add3A_426, %jit3A_430 : i32
      %sign3A_432 = arith.constant 0 : i32
      %sign3A_433 = arith.cmpi sgt, %add3A_426, %sign3A_432 : i32
      %sign3A_434 = arith.extui %sign3A_433 : i1 to i32
      %sign3A_435 = arith.constant 0 : i32
      %sign3A_436 = arith.cmpi slt, %add3A_426, %sign3A_435 : i32
      %sign3A_437 = arith.extui %sign3A_436 : i1 to i32
      %sign3A_438 = arith.subi %sign3A_434, %sign3A_437 : i32
      %sign3A_439 = arith.constant 0 : i32
      %sign3A_440 = arith.cmpi sgt, %jit3A_430, %sign3A_439 : i32
      %sign3A_441 = arith.extui %sign3A_440 : i1 to i32
      %sign3A_442 = arith.constant 0 : i32
      %sign3A_443 = arith.cmpi slt, %jit3A_430, %sign3A_442 : i32
      %sign3A_444 = arith.extui %sign3A_443 : i1 to i32
      %sign3A_445 = arith.subi %sign3A_441, %sign3A_444 : i32
      %ne3A_446 = arith.cmpi ne, %sign3A_438, %sign3A_445 : i32
      %rem3A_447 = arith.remsi %add3A_426, %jit3A_430 : i32
      %ne3A_448 = arith.constant 0 : i32
      %ne3A_449 = arith.cmpi ne, %rem3A_447, %ne3A_448 : i32
      %and3A_450 = arith.andi %ne3A_446, %ne3A_449 : i1
      %sub3A_451 = arith.constant 1 : i32
      %sub3A_452 = arith.subi %div3A_431, %sub3A_451 : i32
      %select_n3A_453 = arith.select %and3A_450, %sub3A_452, %div3A_431 : i32
      %jit3A_454 = arith.constant 64 : i32
      %eq3A_455 = arith.constant 0 : i32
      %eq3A_456 = arith.cmpi eq, %jit3A_454, %eq3A_455 : i32
      %jit3A_457 = arith.constant 1 : i32
      %select_n3A_458 = arith.select %eq3A_456, %jit3A_457, %jit3A_454 : i32
      %rem3A_459 = arith.remsi %add3A_426, %select_n3A_458 : i32
      %ne3A_460 = arith.constant 0 : i32
      %ne3A_461 = arith.cmpi ne, %rem3A_459, %ne3A_460 : i32
      %lt3A_462 = arith.constant 0 : i32
      %lt3A_463 = arith.cmpi slt, %rem3A_459, %lt3A_462 : i32
      %lt3A_464 = arith.constant 0 : i32
      %lt3A_465 = arith.cmpi slt, %select_n3A_458, %lt3A_464 : i32
      %ne3A_466 = arith.xori %lt3A_463, %lt3A_465 : i1
      %and3A_467 = arith.andi %ne3A_466, %ne3A_461 : i1
      %add3A_468 = arith.addi %rem3A_459, %select_n3A_458 : i32
      %select_n3A_469 = arith.select %and3A_467, %add3A_468, %rem3A_459 : i32
      %dma_wait3A_470 = arith.constant 0 : i32
      %dma_wait3A_471 = tpu.memref_slice %arg3[%select_n3A_453, %select_n3A_469, %dma_wait3A_470] : memref<26x64x100000xf32, #tpu.memory_space<hbm>> -> memref<1x1x50048xf32, #tpu.memory_space<hbm>>
      %dma_wait3A_472 = tpu.memref_squeeze %dma_wait3A_471 : memref<1x1x50048xf32, #tpu.memory_space<hbm>> -> memref<50048xf32, #tpu.memory_space<hbm>>
      %dma_wait3A_473 = arith.constant 0 : i32
      %dma_wait3A_474 = tpu.memref_slice %arg3[%select_n3A_453, %select_n3A_469, %dma_wait3A_473] : memref<26x64x100000xf32, #tpu.memory_space<hbm>> -> memref<1x1x50048xf32, #tpu.memory_space<hbm>>
      %dma_wait3A_475 = tpu.memref_squeeze %dma_wait3A_474 : memref<1x1x50048xf32, #tpu.memory_space<hbm>> -> memref<50048xf32, #tpu.memory_space<hbm>>
      tpu.wait_dma2 semaphore(%arg10 : memref<!tpu.dma_semaphore, #tpu.memory_space<semaphore_mem>>) src(%dma_wait3A_475 : memref<50048xf32, #tpu.memory_space<hbm>>) dst(%arg5 : memref<50048xf32, #tpu.memory_space<vmem>>)
      %jit3A_476 = arith.constant 64 : i32
      %div3A_477 = arith.divsi %add3A_426, %jit3A_476 : i32
      %sign3A_478 = arith.constant 0 : i32
      %sign3A_479 = arith.cmpi sgt, %add3A_426, %sign3A_478 : i32
      %sign3A_480 = arith.extui %sign3A_479 : i1 to i32
      %sign3A_481 = arith.constant 0 : i32
      %sign3A_482 = arith.cmpi slt, %add3A_426, %sign3A_481 : i32
      %sign3A_483 = arith.extui %sign3A_482 : i1 to i32
      %sign3A_484 = arith.subi %sign3A_480, %sign3A_483 : i32
      %sign3A_485 = arith.constant 0 : i32
      %sign3A_486 = arith.cmpi sgt, %jit3A_476, %sign3A_485 : i32
      %sign3A_487 = arith.extui %sign3A_486 : i1 to i32
      %sign3A_488 = arith.constant 0 : i32
      %sign3A_489 = arith.cmpi slt, %jit3A_476, %sign3A_488 : i32
      %sign3A_490 = arith.extui %sign3A_489 : i1 to i32
      %sign3A_491 = arith.subi %sign3A_487, %sign3A_490 : i32
      %ne3A_492 = arith.cmpi ne, %sign3A_484, %sign3A_491 : i32
      %rem3A_493 = arith.remsi %add3A_426, %jit3A_476 : i32
      %ne3A_494 = arith.constant 0 : i32
      %ne3A_495 = arith.cmpi ne, %rem3A_493, %ne3A_494 : i32
      %and3A_496 = arith.andi %ne3A_492, %ne3A_495 : i1
      %sub3A_497 = arith.constant 1 : i32
      %sub3A_498 = arith.subi %div3A_477, %sub3A_497 : i32
      %select_n3A_499 = arith.select %and3A_496, %sub3A_498, %div3A_477 : i32
      %sub3A_500 = arith.subi %select_n3A_499, %select_n3A : i32
      %mul3A_501 = arith.constant 4096 : i32
      %mul3A_502 = arith.muli %sub3A_500, %mul3A_501 : i32
      %scan3A_503 = arith.constant 0 : i32
      %scan3A_504 = arith.constant 0 : i32
      %scan3A_505 = arith.constant 16 : i32
      %scan3A_506 = arith.addi %scan3A_504, %scan3A_505 : i32
      %scan3A_507 = arith.constant 1 : i32
      %scan3A_508 = scf.for %scan3A_603 = %scan3A_504 to %scan3A_506 step %scan3A_507 iter_args(%scan3A_604 = %scan3A_503) -> (i32)  : i32 {
        %mul3A_605 = arith.constant 16 : i32
        %mul3A_606 = arith.muli %scan3A_603, %mul3A_605 : i32
        %add3A_607 = arith.constant 0 : i32
        %add3A_608 = arith.addi %mul3A_606, %add3A_607 : i32
        %mul3A_609 = arith.constant 16 : i32
        %mul3A_610 = arith.muli %add3A_608, %mul3A_609 : i32
        %add3A_611 = arith.addi %mul3A_502, %mul3A_610 : i32
        %get3A = arith.index_cast %add3A_611 : i32 to index
        %get3A_612 = tpu.vector_load %arg7[%get3A] {strides = array<i32>} : memref<8192xi32, #tpu.memory_space<vmem>>, vector<16xi32>,
        %lt3A_613 = arith.constant 50048 : i32
        %lt3A_614 = vector.broadcast %lt3A_613 : i32 to vector<16xi32>
        %lt3A_615 = arith.cmpi slt, %get3A_612, %lt3A_614 : vector<16xi32>
        %gather3A = tpu.vector_load_idx %arg5[%get3A_612] masked %lt3A_615 : memref<50048xf32, #tpu.memory_space<vmem>>[vector<16xi32>], vector<16xf32>, vector<16xi1>
        %swap3A = arith.index_cast %mul3A_610 : i32 to index
        %swap3A_616 = tpu.vector_load %arg9[%swap3A] {strides = array<i32>} : memref<4096xf32, #tpu.memory_space<vmem>>, vector<16xf32>,
        tpu.vector_store %arg9[%swap3A], %gather3A {strides = array<i32>} : memref<4096xf32, #tpu.memory_space<vmem>>, vector<16xf32>,
        %mul3A_617 = arith.constant 16 : i32
        %mul3A_618 = arith.muli %scan3A_603, %mul3A_617 : i32
        %add3A_619 = arith.constant 1 : i32
        %add3A_620 = arith.addi %mul3A_618, %add3A_619 : i32
        %mul3A_621 = arith.constant 16 : i32
        %mul3A_622 = arith.muli %add3A_620, %mul3A_621 : i32
        %add3A_623 = arith.addi %mul3A_502, %mul3A_622 : i32
        %get3A_624 = arith.index_cast %add3A_623 : i32 to index
        %get3A_625 = tpu.vector_load %arg7[%get3A_624] {strides = array<i32>} : memref<8192xi32, #tpu.memory_space<vmem>>, vector<16xi32>,
        %lt3A_626 = arith.constant 50048 : i32
        %lt3A_627 = vector.broadcast %lt3A_626 : i32 to vector<16xi32>
        %lt3A_628 = arith.cmpi slt, %get3A_625, %lt3A_627 : vector<16xi32>
        %gather3A_629 = tpu.vector_load_idx %arg5[%get3A_625] masked %lt3A_628 : memref<50048xf32, #tpu.memory_space<vmem>>[vector<16xi32>], vector<16xf32>, vector<16xi1>
        %swap3A_630 = arith.index_cast %mul3A_622 : i32 to index
        %swap3A_631 = tpu.vector_load %arg9[%swap3A_630] {strides = array<i32>} : memref<4096xf32, #tpu.memory_space<vmem>>, vector<16xf32>,
        tpu.vector_store %arg9[%swap3A_630], %gather3A_629 {strides = array<i32>} : memref<4096xf32, #tpu.memory_space<vmem>>, vector<16xf32>,
        %mul3A_632 = arith.constant 16 : i32
        %mul3A_633 = arith.muli %scan3A_603, %mul3A_632 : i32
        %add3A_634 = arith.constant 2 : i32
        %add3A_635 = arith.addi %mul3A_633, %add3A_634 : i32
        %mul3A_636 = arith.constant 16 : i32
        %mul3A_637 = arith.muli %add3A_635, %mul3A_636 : i32
        %add3A_638 = arith.addi %mul3A_502, %mul3A_637 : i32
        %get3A_639 = arith.index_cast %add3A_638 : i32 to index
        %get3A_640 = tpu.vector_load %arg7[%get3A_639] {strides = array<i32>} : memref<8192xi32, #tpu.memory_space<vmem>>, vector<16xi32>,
        %lt3A_641 = arith.constant 50048 : i32
        %lt3A_642 = vector.broadcast %lt3A_641 : i32 to vector<16xi32>
        %lt3A_643 = arith.cmpi slt, %get3A_640, %lt3A_642 : vector<16xi32>
        %gather3A_644 = tpu.vector_load_idx %arg5[%get3A_640] masked %lt3A_643 : memref<50048xf32, #tpu.memory_space<vmem>>[vector<16xi32>], vector<16xf32>, vector<16xi1>
        %swap3A_645 = arith.index_cast %mul3A_637 : i32 to index
        %swap3A_646 = tpu.vector_load %arg9[%swap3A_645] {strides = array<i32>} : memref<4096xf32, #tpu.memory_space<vmem>>, vector<16xf32>,
        tpu.vector_store %arg9[%swap3A_645], %gather3A_644 {strides = array<i32>} : memref<4096xf32, #tpu.memory_space<vmem>>, vector<16xf32>,
        %mul3A_647 = arith.constant 16 : i32
        %mul3A_648 = arith.muli %scan3A_603, %mul3A_647 : i32
        %add3A_649 = arith.constant 3 : i32
        %add3A_650 = arith.addi %mul3A_648, %add3A_649 : i32
        %mul3A_651 = arith.constant 16 : i32
        %mul3A_652 = arith.muli %add3A_650, %mul3A_651 : i32
        %add3A_653 = arith.addi %mul3A_502, %mul3A_652 : i32
        %get3A_654 = arith.index_cast %add3A_653 : i32 to index
        %get3A_655 = tpu.vector_load %arg7[%get3A_654] {strides = array<i32>} : memref<8192xi32, #tpu.memory_space<vmem>>, vector<16xi32>,
        %lt3A_656 = arith.constant 50048 : i32
        %lt3A_657 = vector.broadcast %lt3A_656 : i32 to vector<16xi32>
        %lt3A_658 = arith.cmpi slt, %get3A_655, %lt3A_657 : vector<16xi32>
        %gather3A_659 = tpu.vector_load_idx %arg5[%get3A_655] masked %lt3A_658 : memref<50048xf32, #tpu.memory_space<vmem>>[vector<16xi32>], vector<16xf32>, vector<16xi1>
        %swap3A_660 = arith.index_cast %mul3A_652 : i32 to index
        %swap3A_661 = tpu.vector_load %arg9[%swap3A_660] {strides = array<i32>} : memref<4096xf32, #tpu.memory_space<vmem>>, vector<16xf32>,
        tpu.vector_store %arg9[%swap3A_660], %gather3A_659 {strides = array<i32>} : memref<4096xf32, #tpu.memory_space<vmem>>, vector<16xf32>,
        %mul3A_662 = arith.constant 16 : i32
        %mul3A_663 = arith.muli %scan3A_603, %mul3A_662 : i32
        %add3A_664 = arith.constant 4 : i32
        %add3A_665 = arith.addi %mul3A_663, %add3A_664 : i32
        %mul3A_666 = arith.constant 16 : i32
        %mul3A_667 = arith.muli %add3A_665, %mul3A_666 : i32
        %add3A_668 = arith.addi %mul3A_502, %mul3A_667 : i32
        %get3A_669 = arith.index_cast %add3A_668 : i32 to index
        %get3A_670 = tpu.vector_load %arg7[%get3A_669] {strides = array<i32>} : memref<8192xi32, #tpu.memory_space<vmem>>, vector<16xi32>,
        %lt3A_671 = arith.constant 50048 : i32
        %lt3A_672 = vector.broadcast %lt3A_671 : i32 to vector<16xi32>
        %lt3A_673 = arith.cmpi slt, %get3A_670, %lt3A_672 : vector<16xi32>
        %gather3A_674 = tpu.vector_load_idx %arg5[%get3A_670] masked %lt3A_673 : memref<50048xf32, #tpu.memory_space<vmem>>[vector<16xi32>], vector<16xf32>, vector<16xi1>
        %swap3A_675 = arith.index_cast %mul3A_667 : i32 to index
        %swap3A_676 = tpu.vector_load %arg9[%swap3A_675] {strides = array<i32>} : memref<4096xf32, #tpu.memory_space<vmem>>, vector<16xf32>,
        tpu.vector_store %arg9[%swap3A_675], %gather3A_674 {strides = array<i32>} : memref<4096xf32, #tpu.memory_space<vmem>>, vector<16xf32>,
        %mul3A_677 = arith.constant 16 : i32
        %mul3A_678 = arith.muli %scan3A_603, %mul3A_677 : i32
        %add3A_679 = arith.constant 5 : i32
        %add3A_680 = arith.addi %mul3A_678, %add3A_679 : i32
        %mul3A_681 = arith.constant 16 : i32
        %mul3A_682 = arith.muli %add3A_680, %mul3A_681 : i32
        %add3A_683 = arith.addi %mul3A_502, %mul3A_682 : i32
        %get3A_684 = arith.index_cast %add3A_683 : i32 to index
        %get3A_685 = tpu.vector_load %arg7[%get3A_684] {strides = array<i32>} : memref<8192xi32, #tpu.memory_space<vmem>>, vector<16xi32>,
        %lt3A_686 = arith.constant 50048 : i32
        %lt3A_687 = vector.broadcast %lt3A_686 : i32 to vector<16xi32>
        %lt3A_688 = arith.cmpi slt, %get3A_685, %lt3A_687 : vector<16xi32>
        %gather3A_689 = tpu.vector_load_idx %arg5[%get3A_685] masked %lt3A_688 : memref<50048xf32, #tpu.memory_space<vmem>>[vector<16xi32>], vector<16xf32>, vector<16xi1>
        %swap3A_690 = arith.index_cast %mul3A_682 : i32 to index
        %swap3A_691 = tpu.vector_load %arg9[%swap3A_690] {strides = array<i32>} : memref<4096xf32, #tpu.memory_space<vmem>>, vector<16xf32>,
        tpu.vector_store %arg9[%swap3A_690], %gather3A_689 {strides = array<i32>} : memref<4096xf32, #tpu.memory_space<vmem>>, vector<16xf32>,
        %mul3A_692 = arith.constant 16 : i32
        %mul3A_693 = arith.muli %scan3A_603, %mul3A_692 : i32
        %add3A_694 = arith.constant 6 : i32
        %add3A_695 = arith.addi %mul3A_693, %add3A_694 : i32
        %mul3A_696 = arith.constant 16 : i32
        %mul3A_697 = arith.muli %add3A_695, %mul3A_696 : i32
        %add3A_698 = arith.addi %mul3A_502, %mul3A_697 : i32
        %get3A_699 = arith.index_cast %add3A_698 : i32 to index
        %get3A_700 = tpu.vector_load %arg7[%get3A_699] {strides = array<i32>} : memref<8192xi32, #tpu.memory_space<vmem>>, vector<16xi32>,
        %lt3A_701 = arith.constant 50048 : i32
        %lt3A_702 = vector.broadcast %lt3A_701 : i32 to vector<16xi32>
        %lt3A_703 = arith.cmpi slt, %get3A_700, %lt3A_702 : vector<16xi32>
        %gather3A_704 = tpu.vector_load_idx %arg5[%get3A_700] masked %lt3A_703 : memref<50048xf32, #tpu.memory_space<vmem>>[vector<16xi32>], vector<16xf32>, vector<16xi1>
        %swap3A_705 = arith.index_cast %mul3A_697 : i32 to index
        %swap3A_706 = tpu.vector_load %arg9[%swap3A_705] {strides = array<i32>} : memref<4096xf32, #tpu.memory_space<vmem>>, vector<16xf32>,
        tpu.vector_store %arg9[%swap3A_705], %gather3A_704 {strides = array<i32>} : memref<4096xf32, #tpu.memory_space<vmem>>, vector<16xf32>,
        %mul3A_707 = arith.constant 16 : i32
        %mul3A_708 = arith.muli %scan3A_603, %mul3A_707 : i32
        %add3A_709 = arith.constant 7 : i32
        %add3A_710 = arith.addi %mul3A_708, %add3A_709 : i32
        %mul3A_711 = arith.constant 16 : i32
        %mul3A_712 = arith.muli %add3A_710, %mul3A_711 : i32
        %add3A_713 = arith.addi %mul3A_502, %mul3A_712 : i32
        %get3A_714 = arith.index_cast %add3A_713 : i32 to index
        %get3A_715 = tpu.vector_load %arg7[%get3A_714] {strides = array<i32>} : memref<8192xi32, #tpu.memory_space<vmem>>, vector<16xi32>,
        %lt3A_716 = arith.constant 50048 : i32
        %lt3A_717 = vector.broadcast %lt3A_716 : i32 to vector<16xi32>
        %lt3A_718 = arith.cmpi slt, %get3A_715, %lt3A_717 : vector<16xi32>
        %gather3A_719 = tpu.vector_load_idx %arg5[%get3A_715] masked %lt3A_718 : memref<50048xf32, #tpu.memory_space<vmem>>[vector<16xi32>], vector<16xf32>, vector<16xi1>
        %swap3A_720 = arith.index_cast %mul3A_712 : i32 to index
        %swap3A_721 = tpu.vector_load %arg9[%swap3A_720] {strides = array<i32>} : memref<4096xf32, #tpu.memory_space<vmem>>, vector<16xf32>,
        tpu.vector_store %arg9[%swap3A_720], %gather3A_719 {strides = array<i32>} : memref<4096xf32, #tpu.memory_space<vmem>>, vector<16xf32>,
        %mul3A_722 = arith.constant 16 : i32
        %mul3A_723 = arith.muli %scan3A_603, %mul3A_722 : i32
        %add3A_724 = arith.constant 8 : i32
        %add3A_725 = arith.addi %mul3A_723, %add3A_724 : i32
        %mul3A_726 = arith.constant 16 : i32
        %mul3A_727 = arith.muli %add3A_725, %mul3A_726 : i32
        %add3A_728 = arith.addi %mul3A_502, %mul3A_727 : i32
        %get3A_729 = arith.index_cast %add3A_728 : i32 to index
        %get3A_730 = tpu.vector_load %arg7[%get3A_729] {strides = array<i32>} : memref<8192xi32, #tpu.memory_space<vmem>>, vector<16xi32>,
        %lt3A_731 = arith.constant 50048 : i32
        %lt3A_732 = vector.broadcast %lt3A_731 : i32 to vector<16xi32>
        %lt3A_733 = arith.cmpi slt, %get3A_730, %lt3A_732 : vector<16xi32>
        %gather3A_734 = tpu.vector_load_idx %arg5[%get3A_730] masked %lt3A_733 : memref<50048xf32, #tpu.memory_space<vmem>>[vector<16xi32>], vector<16xf32>, vector<16xi1>
        %swap3A_735 = arith.index_cast %mul3A_727 : i32 to index
        %swap3A_736 = tpu.vector_load %arg9[%swap3A_735] {strides = array<i32>} : memref<4096xf32, #tpu.memory_space<vmem>>, vector<16xf32>,
        tpu.vector_store %arg9[%swap3A_735], %gather3A_734 {strides = array<i32>} : memref<4096xf32, #tpu.memory_space<vmem>>, vector<16xf32>,
        %mul3A_737 = arith.constant 16 : i32
        %mul3A_738 = arith.muli %scan3A_603, %mul3A_737 : i32
        %add3A_739 = arith.constant 9 : i32
        %add3A_740 = arith.addi %mul3A_738, %add3A_739 : i32
        %mul3A_741 = arith.constant 16 : i32
        %mul3A_742 = arith.muli %add3A_740, %mul3A_741 : i32
        %add3A_743 = arith.addi %mul3A_502, %mul3A_742 : i32
        %get3A_744 = arith.index_cast %add3A_743 : i32 to index
        %get3A_745 = tpu.vector_load %arg7[%get3A_744] {strides = array<i32>} : memref<8192xi32, #tpu.memory_space<vmem>>, vector<16xi32>,
        %lt3A_746 = arith.constant 50048 : i32
        %lt3A_747 = vector.broadcast %lt3A_746 : i32 to vector<16xi32>
        %lt3A_748 = arith.cmpi slt, %get3A_745, %lt3A_747 : vector<16xi32>
        %gather3A_749 = tpu.vector_load_idx %arg5[%get3A_745] masked %lt3A_748 : memref<50048xf32, #tpu.memory_space<vmem>>[vector<16xi32>], vector<16xf32>, vector<16xi1>
        %swap3A_750 = arith.index_cast %mul3A_742 : i32 to index
        %swap3A_751 = tpu.vector_load %arg9[%swap3A_750] {strides = array<i32>} : memref<4096xf32, #tpu.memory_space<vmem>>, vector<16xf32>,
        tpu.vector_store %arg9[%swap3A_750], %gather3A_749 {strides = array<i32>} : memref<4096xf32, #tpu.memory_space<vmem>>, vector<16xf32>,
        %mul3A_752 = arith.constant 16 : i32
        %mul3A_753 = arith.muli %scan3A_603, %mul3A_752 : i32
        %add3A_754 = arith.constant 10 : i32
        %add3A_755 = arith.addi %mul3A_753, %add3A_754 : i32
        %mul3A_756 = arith.constant 16 : i32
        %mul3A_757 = arith.muli %add3A_755, %mul3A_756 : i32
        %add3A_758 = arith.addi %mul3A_502, %mul3A_757 : i32
        %get3A_759 = arith.index_cast %add3A_758 : i32 to index
        %get3A_760 = tpu.vector_load %arg7[%get3A_759] {strides = array<i32>} : memref<8192xi32, #tpu.memory_space<vmem>>, vector<16xi32>,
        %lt3A_761 = arith.constant 50048 : i32
        %lt3A_762 = vector.broadcast %lt3A_761 : i32 to vector<16xi32>
        %lt3A_763 = arith.cmpi slt, %get3A_760, %lt3A_762 : vector<16xi32>
        %gather3A_764 = tpu.vector_load_idx %arg5[%get3A_760] masked %lt3A_763 : memref<50048xf32, #tpu.memory_space<vmem>>[vector<16xi32>], vector<16xf32>, vector<16xi1>
        %swap3A_765 = arith.index_cast %mul3A_757 : i32 to index
        %swap3A_766 = tpu.vector_load %arg9[%swap3A_765] {strides = array<i32>} : memref<4096xf32, #tpu.memory_space<vmem>>, vector<16xf32>,
        tpu.vector_store %arg9[%swap3A_765], %gather3A_764 {strides = array<i32>} : memref<4096xf32, #tpu.memory_space<vmem>>, vector<16xf32>,
        %mul3A_767 = arith.constant 16 : i32
        %mul3A_768 = arith.muli %scan3A_603, %mul3A_767 : i32
        %add3A_769 = arith.constant 11 : i32
        %add3A_770 = arith.addi %mul3A_768, %add3A_769 : i32
        %mul3A_771 = arith.constant 16 : i32
        %mul3A_772 = arith.muli %add3A_770, %mul3A_771 : i32
        %add3A_773 = arith.addi %mul3A_502, %mul3A_772 : i32
        %get3A_774 = arith.index_cast %add3A_773 : i32 to index
        %get3A_775 = tpu.vector_load %arg7[%get3A_774] {strides = array<i32>} : memref<8192xi32, #tpu.memory_space<vmem>>, vector<16xi32>,
        %lt3A_776 = arith.constant 50048 : i32
        %lt3A_777 = vector.broadcast %lt3A_776 : i32 to vector<16xi32>
        %lt3A_778 = arith.cmpi slt, %get3A_775, %lt3A_777 : vector<16xi32>
        %gather3A_779 = tpu.vector_load_idx %arg5[%get3A_775] masked %lt3A_778 : memref<50048xf32, #tpu.memory_space<vmem>>[vector<16xi32>], vector<16xf32>, vector<16xi1>
        %swap3A_780 = arith.index_cast %mul3A_772 : i32 to index
        %swap3A_781 = tpu.vector_load %arg9[%swap3A_780] {strides = array<i32>} : memref<4096xf32, #tpu.memory_space<vmem>>, vector<16xf32>,
        tpu.vector_store %arg9[%swap3A_780], %gather3A_779 {strides = array<i32>} : memref<4096xf32, #tpu.memory_space<vmem>>, vector<16xf32>,
        %mul3A_782 = arith.constant 16 : i32
        %mul3A_783 = arith.muli %scan3A_603, %mul3A_782 : i32
        %add3A_784 = arith.constant 12 : i32
        %add3A_785 = arith.addi %mul3A_783, %add3A_784 : i32
        %mul3A_786 = arith.constant 16 : i32
        %mul3A_787 = arith.muli %add3A_785, %mul3A_786 : i32
        %add3A_788 = arith.addi %mul3A_502, %mul3A_787 : i32
        %get3A_789 = arith.index_cast %add3A_788 : i32 to index
        %get3A_790 = tpu.vector_load %arg7[%get3A_789] {strides = array<i32>} : memref<8192xi32, #tpu.memory_space<vmem>>, vector<16xi32>,
        %lt3A_791 = arith.constant 50048 : i32
        %lt3A_792 = vector.broadcast %lt3A_791 : i32 to vector<16xi32>
        %lt3A_793 = arith.cmpi slt, %get3A_790, %lt3A_792 : vector<16xi32>
        %gather3A_794 = tpu.vector_load_idx %arg5[%get3A_790] masked %lt3A_793 : memref<50048xf32, #tpu.memory_space<vmem>>[vector<16xi32>], vector<16xf32>, vector<16xi1>
        %swap3A_795 = arith.index_cast %mul3A_787 : i32 to index
        %swap3A_796 = tpu.vector_load %arg9[%swap3A_795] {strides = array<i32>} : memref<4096xf32, #tpu.memory_space<vmem>>, vector<16xf32>,
        tpu.vector_store %arg9[%swap3A_795], %gather3A_794 {strides = array<i32>} : memref<4096xf32, #tpu.memory_space<vmem>>, vector<16xf32>,
        %mul3A_797 = arith.constant 16 : i32
        %mul3A_798 = arith.muli %scan3A_603, %mul3A_797 : i32
        %add3A_799 = arith.constant 13 : i32
        %add3A_800 = arith.addi %mul3A_798, %add3A_799 : i32
        %mul3A_801 = arith.constant 16 : i32
        %mul3A_802 = arith.muli %add3A_800, %mul3A_801 : i32
        %add3A_803 = arith.addi %mul3A_502, %mul3A_802 : i32
        %get3A_804 = arith.index_cast %add3A_803 : i32 to index
        %get3A_805 = tpu.vector_load %arg7[%get3A_804] {strides = array<i32>} : memref<8192xi32, #tpu.memory_space<vmem>>, vector<16xi32>,
        %lt3A_806 = arith.constant 50048 : i32
        %lt3A_807 = vector.broadcast %lt3A_806 : i32 to vector<16xi32>
        %lt3A_808 = arith.cmpi slt, %get3A_805, %lt3A_807 : vector<16xi32>
        %gather3A_809 = tpu.vector_load_idx %arg5[%get3A_805] masked %lt3A_808 : memref<50048xf32, #tpu.memory_space<vmem>>[vector<16xi32>], vector<16xf32>, vector<16xi1>
        %swap3A_810 = arith.index_cast %mul3A_802 : i32 to index
        %swap3A_811 = tpu.vector_load %arg9[%swap3A_810] {strides = array<i32>} : memref<4096xf32, #tpu.memory_space<vmem>>, vector<16xf32>,
        tpu.vector_store %arg9[%swap3A_810], %gather3A_809 {strides = array<i32>} : memref<4096xf32, #tpu.memory_space<vmem>>, vector<16xf32>,
        %mul3A_812 = arith.constant 16 : i32
        %mul3A_813 = arith.muli %scan3A_603, %mul3A_812 : i32
        %add3A_814 = arith.constant 14 : i32
        %add3A_815 = arith.addi %mul3A_813, %add3A_814 : i32
        %mul3A_816 = arith.constant 16 : i32
        %mul3A_817 = arith.muli %add3A_815, %mul3A_816 : i32
        %add3A_818 = arith.addi %mul3A_502, %mul3A_817 : i32
        %get3A_819 = arith.index_cast %add3A_818 : i32 to index
        %get3A_820 = tpu.vector_load %arg7[%get3A_819] {strides = array<i32>} : memref<8192xi32, #tpu.memory_space<vmem>>, vector<16xi32>,
        %lt3A_821 = arith.constant 50048 : i32
        %lt3A_822 = vector.broadcast %lt3A_821 : i32 to vector<16xi32>
        %lt3A_823 = arith.cmpi slt, %get3A_820, %lt3A_822 : vector<16xi32>
        %gather3A_824 = tpu.vector_load_idx %arg5[%get3A_820] masked %lt3A_823 : memref<50048xf32, #tpu.memory_space<vmem>>[vector<16xi32>], vector<16xf32>, vector<16xi1>
        %swap3A_825 = arith.index_cast %mul3A_817 : i32 to index
        %swap3A_826 = tpu.vector_load %arg9[%swap3A_825] {strides = array<i32>} : memref<4096xf32, #tpu.memory_space<vmem>>, vector<16xf32>,
        tpu.vector_store %arg9[%swap3A_825], %gather3A_824 {strides = array<i32>} : memref<4096xf32, #tpu.memory_space<vmem>>, vector<16xf32>,
        %mul3A_827 = arith.constant 16 : i32
        %mul3A_828 = arith.muli %scan3A_603, %mul3A_827 : i32
        %add3A_829 = arith.constant 15 : i32
        %add3A_830 = arith.addi %mul3A_828, %add3A_829 : i32
        %mul3A_831 = arith.constant 16 : i32
        %mul3A_832 = arith.muli %add3A_830, %mul3A_831 : i32
        %add3A_833 = arith.addi %mul3A_502, %mul3A_832 : i32
        %get3A_834 = arith.index_cast %add3A_833 : i32 to index
        %get3A_835 = tpu.vector_load %arg7[%get3A_834] {strides = array<i32>} : memref<8192xi32, #tpu.memory_space<vmem>>, vector<16xi32>,
        %lt3A_836 = arith.constant 50048 : i32
        %lt3A_837 = vector.broadcast %lt3A_836 : i32 to vector<16xi32>
        %lt3A_838 = arith.cmpi slt, %get3A_835, %lt3A_837 : vector<16xi32>
        %gather3A_839 = tpu.vector_load_idx %arg5[%get3A_835] masked %lt3A_838 : memref<50048xf32, #tpu.memory_space<vmem>>[vector<16xi32>], vector<16xf32>, vector<16xi1>
        %swap3A_840 = arith.index_cast %mul3A_832 : i32 to index
        %swap3A_841 = tpu.vector_load %arg9[%swap3A_840] {strides = array<i32>} : memref<4096xf32, #tpu.memory_space<vmem>>, vector<16xf32>,
        tpu.vector_store %arg9[%swap3A_840], %gather3A_839 {strides = array<i32>} : memref<4096xf32, #tpu.memory_space<vmem>>, vector<16xf32>,
        %scan3A_842 = arith.constant 0 : i32
        scf.yield %scan3A_842 : i32
      }
      %scan3A_509 = arith.constant 16 : i32
      %convert_element_type3A_510 = arith.extui %le3A_429 : i1 to i32
      %cond3A_511 = arith.constant 0 : i32
      %cond3A_512 = arith.cmpi ne, %convert_element_type3A_510, %cond3A_511 : i32
      scf.if %cond3A_512 {
        %jit3A_603 = arith.constant 64 : i32
        %div3A_604 = arith.divsi %add3A_428, %jit3A_603 : i32
        %sign3A_605 = arith.constant 0 : i32
        %sign3A_606 = arith.cmpi sgt, %add3A_428, %sign3A_605 : i32
        %sign3A_607 = arith.extui %sign3A_606 : i1 to i32
        %sign3A_608 = arith.constant 0 : i32
        %sign3A_609 = arith.cmpi slt, %add3A_428, %sign3A_608 : i32
        %sign3A_610 = arith.extui %sign3A_609 : i1 to i32
        %sign3A_611 = arith.subi %sign3A_607, %sign3A_610 : i32
        %sign3A_612 = arith.constant 0 : i32
        %sign3A_613 = arith.cmpi sgt, %jit3A_603, %sign3A_612 : i32
        %sign3A_614 = arith.extui %sign3A_613 : i1 to i32
        %sign3A_615 = arith.constant 0 : i32
        %sign3A_616 = arith.cmpi slt, %jit3A_603, %sign3A_615 : i32
        %sign3A_617 = arith.extui %sign3A_616 : i1 to i32
        %sign3A_618 = arith.subi %sign3A_614, %sign3A_617 : i32
        %ne3A_619 = arith.cmpi ne, %sign3A_611, %sign3A_618 : i32
        %rem3A_620 = arith.remsi %add3A_428, %jit3A_603 : i32
        %ne3A_621 = arith.constant 0 : i32
        %ne3A_622 = arith.cmpi ne, %rem3A_620, %ne3A_621 : i32
        %and3A_623 = arith.andi %ne3A_619, %ne3A_622 : i1
        %sub3A_624 = arith.constant 1 : i32
        %sub3A_625 = arith.subi %div3A_604, %sub3A_624 : i32
        %select_n3A_626 = arith.select %and3A_623, %sub3A_625, %div3A_604 : i32
        %jit3A_627 = arith.constant 64 : i32
        %eq3A_628 = arith.constant 0 : i32
        %eq3A_629 = arith.cmpi eq, %jit3A_627, %eq3A_628 : i32
        %jit3A_630 = arith.constant 1 : i32
        %select_n3A_631 = arith.select %eq3A_629, %jit3A_630, %jit3A_627 : i32
        %rem3A_632 = arith.remsi %add3A_428, %select_n3A_631 : i32
        %ne3A_633 = arith.constant 0 : i32
        %ne3A_634 = arith.cmpi ne, %rem3A_632, %ne3A_633 : i32
        %lt3A_635 = arith.constant 0 : i32
        %lt3A_636 = arith.cmpi slt, %rem3A_632, %lt3A_635 : i32
        %lt3A_637 = arith.constant 0 : i32
        %lt3A_638 = arith.cmpi slt, %select_n3A_631, %lt3A_637 : i32
        %ne3A_639 = arith.xori %lt3A_636, %lt3A_638 : i1
        %and3A_640 = arith.andi %ne3A_639, %ne3A_634 : i1
        %add3A_641 = arith.addi %rem3A_632, %select_n3A_631 : i32
        %select_n3A_642 = arith.select %and3A_640, %add3A_641, %rem3A_632 : i32
        %dma_start3A_643 = arith.constant 0 : i32
        %dma_start3A_644 = tpu.memref_slice %arg3[%select_n3A_626, %select_n3A_642, %dma_start3A_643] : memref<26x64x100000xf32, #tpu.memory_space<hbm>> -> memref<1x1x50048xf32, #tpu.memory_space<hbm>>
        %dma_start3A_645 = tpu.memref_squeeze %dma_start3A_644 : memref<1x1x50048xf32, #tpu.memory_space<hbm>> -> memref<50048xf32, #tpu.memory_space<hbm>>
        %dma_start3A_646 = arith.constant 0 : i32
        %dma_start3A_647 = tpu.memref_slice %arg3[%select_n3A_626, %select_n3A_642, %dma_start3A_646] : memref<26x64x100000xf32, #tpu.memory_space<hbm>> -> memref<1x1x50048xf32, #tpu.memory_space<hbm>>
        %dma_start3A_648 = tpu.memref_squeeze %dma_start3A_647 : memref<1x1x50048xf32, #tpu.memory_space<hbm>> -> memref<50048xf32, #tpu.memory_space<hbm>>
        tpu.enqueue_dma source(%dma_start3A_648 : memref<50048xf32, #tpu.memory_space<hbm>>) target(%arg5 : memref<50048xf32, #tpu.memory_space<vmem>>) target_semaphore(%arg10 : memref<!tpu.dma_semaphore, #tpu.memory_space<semaphore_mem>>)
      } else {
      }
      %jit3A_513 = arith.constant 64 : i32
      %div3A_514 = arith.divsi %add3A_426, %jit3A_513 : i32
      %sign3A_515 = arith.constant 0 : i32
      %sign3A_516 = arith.cmpi sgt, %add3A_426, %sign3A_515 : i32
      %sign3A_517 = arith.extui %sign3A_516 : i1 to i32
      %sign3A_518 = arith.constant 0 : i32
      %sign3A_519 = arith.cmpi slt, %add3A_426, %sign3A_518 : i32
      %sign3A_520 = arith.extui %sign3A_519 : i1 to i32
      %sign3A_521 = arith.subi %sign3A_517, %sign3A_520 : i32
      %sign3A_522 = arith.constant 0 : i32
      %sign3A_523 = arith.cmpi sgt, %jit3A_513, %sign3A_522 : i32
      %sign3A_524 = arith.extui %sign3A_523 : i1 to i32
      %sign3A_525 = arith.constant 0 : i32
      %sign3A_526 = arith.cmpi slt, %jit3A_513, %sign3A_525 : i32
      %sign3A_527 = arith.extui %sign3A_526 : i1 to i32
      %sign3A_528 = arith.subi %sign3A_524, %sign3A_527 : i32
      %ne3A_529 = arith.cmpi ne, %sign3A_521, %sign3A_528 : i32
      %rem3A_530 = arith.remsi %add3A_426, %jit3A_513 : i32
      %ne3A_531 = arith.constant 0 : i32
      %ne3A_532 = arith.cmpi ne, %rem3A_530, %ne3A_531 : i32
      %and3A_533 = arith.andi %ne3A_529, %ne3A_532 : i1
      %sub3A_534 = arith.constant 1 : i32
      %sub3A_535 = arith.subi %div3A_514, %sub3A_534 : i32
      %select_n3A_536 = arith.select %and3A_533, %sub3A_535, %div3A_514 : i32
      %jit3A_537 = arith.constant 64 : i32
      %eq3A_538 = arith.constant 0 : i32
      %eq3A_539 = arith.cmpi eq, %jit3A_537, %eq3A_538 : i32
      %jit3A_540 = arith.constant 1 : i32
      %select_n3A_541 = arith.select %eq3A_539, %jit3A_540, %jit3A_537 : i32
      %rem3A_542 = arith.remsi %add3A_426, %select_n3A_541 : i32
      %ne3A_543 = arith.constant 0 : i32
      %ne3A_544 = arith.cmpi ne, %rem3A_542, %ne3A_543 : i32
      %lt3A_545 = arith.constant 0 : i32
      %lt3A_546 = arith.cmpi slt, %rem3A_542, %lt3A_545 : i32
      %lt3A_547 = arith.constant 0 : i32
      %lt3A_548 = arith.cmpi slt, %select_n3A_541, %lt3A_547 : i32
      %ne3A_549 = arith.xori %lt3A_546, %lt3A_548 : i1
      %and3A_550 = arith.andi %ne3A_549, %ne3A_544 : i1
      %add3A_551 = arith.addi %rem3A_542, %select_n3A_541 : i32
      %select_n3A_552 = arith.select %and3A_550, %add3A_551, %rem3A_542 : i32
      %dma_wait3A_553 = arith.constant 50048 : i32
      %dma_wait3A_554 = tpu.memref_slice %arg3[%select_n3A_536, %select_n3A_552, %dma_wait3A_553] : memref<26x64x100000xf32, #tpu.memory_space<hbm>> -> memref<1x1x49952xf32, #tpu.memory_space<hbm>>
      %dma_wait3A_555 = tpu.memref_squeeze %dma_wait3A_554 : memref<1x1x49952xf32, #tpu.memory_space<hbm>> -> memref<49952xf32, #tpu.memory_space<hbm>>
      %dma_wait3A_556 = arith.constant 50048 : i32
      %dma_wait3A_557 = tpu.memref_slice %arg3[%select_n3A_536, %select_n3A_552, %dma_wait3A_556] : memref<26x64x100000xf32, #tpu.memory_space<hbm>> -> memref<1x1x49952xf32, #tpu.memory_space<hbm>>
      %dma_wait3A_558 = tpu.memref_squeeze %dma_wait3A_557 : memref<1x1x49952xf32, #tpu.memory_space<hbm>> -> memref<49952xf32, #tpu.memory_space<hbm>>
      tpu.wait_dma2 semaphore(%arg11 : memref<!tpu.dma_semaphore, #tpu.memory_space<semaphore_mem>>) src(%dma_wait3A_558 : memref<49952xf32, #tpu.memory_space<hbm>>) dst(%arg6 : memref<49952xf32, #tpu.memory_space<vmem>>)
      %jit3A_559 = arith.constant 64 : i32
      %div3A_560 = arith.divsi %add3A_426, %jit3A_559 : i32
      %sign3A_561 = arith.constant 0 : i32
      %sign3A_562 = arith.cmpi sgt, %add3A_426, %sign3A_561 : i32
      %sign3A_563 = arith.extui %sign3A_562 : i1 to i32
      %sign3A_564 = arith.constant 0 : i32
      %sign3A_565 = arith.cmpi slt, %add3A_426, %sign3A_564 : i32
      %sign3A_566 = arith.extui %sign3A_565 : i1 to i32
      %sign3A_567 = arith.subi %sign3A_563, %sign3A_566 : i32
      %sign3A_568 = arith.constant 0 : i32
      %sign3A_569 = arith.cmpi sgt, %jit3A_559, %sign3A_568 : i32
      %sign3A_570 = arith.extui %sign3A_569 : i1 to i32
      %sign3A_571 = arith.constant 0 : i32
      %sign3A_572 = arith.cmpi slt, %jit3A_559, %sign3A_571 : i32
      %sign3A_573 = arith.extui %sign3A_572 : i1 to i32
      %sign3A_574 = arith.subi %sign3A_570, %sign3A_573 : i32
      %ne3A_575 = arith.cmpi ne, %sign3A_567, %sign3A_574 : i32
      %rem3A_576 = arith.remsi %add3A_426, %jit3A_559 : i32
      %ne3A_577 = arith.constant 0 : i32
      %ne3A_578 = arith.cmpi ne, %rem3A_576, %ne3A_577 : i32
      %and3A_579 = arith.andi %ne3A_575, %ne3A_578 : i1
      %sub3A_580 = arith.constant 1 : i32
      %sub3A_581 = arith.subi %div3A_560, %sub3A_580 : i32
      %select_n3A_582 = arith.select %and3A_579, %sub3A_581, %div3A_560 : i32
      %sub3A_583 = arith.subi %select_n3A_582, %select_n3A : i32
      %mul3A_584 = arith.constant 4096 : i32
      %mul3A_585 = arith.muli %sub3A_583, %mul3A_584 : i32
      %scan3A_586 = arith.constant 0 : i32
      %scan3A_587 = arith.constant 0 : i32
      %scan3A_588 = arith.constant 16 : i32
      %scan3A_589 = arith.addi %scan3A_587, %scan3A_588 : i32
      %scan3A_590 = arith.constant 1 : i32
      %scan3A_591 = scf.for %scan3A_603 = %scan3A_587 to %scan3A_589 step %scan3A_590 iter_args(%scan3A_604 = %scan3A_586) -> (i32)  : i32 {
        %mul3A_605 = arith.constant 16 : i32
        %mul3A_606 = arith.muli %scan3A_603, %mul3A_605 : i32
        %add3A_607 = arith.constant 0 : i32
        %add3A_608 = arith.addi %mul3A_606, %add3A_607 : i32
        %mul3A_609 = arith.constant 16 : i32
        %mul3A_610 = arith.muli %add3A_608, %mul3A_609 : i32
        %add3A_611 = arith.addi %mul3A_585, %mul3A_610 : i32
        %get3A = arith.index_cast %add3A_611 : i32 to index
        %get3A_612 = tpu.vector_load %arg7[%get3A] {strides = array<i32>} : memref<8192xi32, #tpu.memory_space<vmem>>, vector<16xi32>,
        %ge3A_613 = arith.constant 50048 : i32
        %ge3A_614 = vector.broadcast %ge3A_613 : i32 to vector<16xi32>
        %ge3A_615 = arith.cmpi sge, %get3A_612, %ge3A_614 : vector<16xi32>
        %sub3A_616 = arith.constant 50048 : i32
        %sub3A_617 = vector.broadcast %sub3A_616 : i32 to vector<16xi32>
        %sub3A_618 = arith.subi %get3A_612, %sub3A_617 : vector<16xi32>
        %gather3A = tpu.vector_load_idx %arg6[%sub3A_618] masked %ge3A_615 : memref<49952xf32, #tpu.memory_space<vmem>>[vector<16xi32>], vector<16xf32>, vector<16xi1>
        %get3A_619 = arith.index_cast %mul3A_610 : i32 to index
        %get3A_620 = tpu.vector_load %arg9[%get3A_619] {strides = array<i32>} : memref<4096xf32, #tpu.memory_space<vmem>>, vector<16xf32>,
        %select_n3A_621 = arith.select %ge3A_615, %gather3A, %get3A_620 : vector<16xi1>, vector<16xf32>
        %swap3A = arith.index_cast %mul3A_610 : i32 to index
        %swap3A_622 = tpu.vector_load %arg9[%swap3A] {strides = array<i32>} : memref<4096xf32, #tpu.memory_space<vmem>>, vector<16xf32>,
        tpu.vector_store %arg9[%swap3A], %select_n3A_621 {strides = array<i32>} : memref<4096xf32, #tpu.memory_space<vmem>>, vector<16xf32>,
        %mul3A_623 = arith.constant 16 : i32
        %mul3A_624 = arith.muli %scan3A_603, %mul3A_623 : i32
        %add3A_625 = arith.constant 1 : i32
        %add3A_626 = arith.addi %mul3A_624, %add3A_625 : i32
        %mul3A_627 = arith.constant 16 : i32
        %mul3A_628 = arith.muli %add3A_626, %mul3A_627 : i32
        %add3A_629 = arith.addi %mul3A_585, %mul3A_628 : i32
        %get3A_630 = arith.index_cast %add3A_629 : i32 to index
        %get3A_631 = tpu.vector_load %arg7[%get3A_630] {strides = array<i32>} : memref<8192xi32, #tpu.memory_space<vmem>>, vector<16xi32>,
        %ge3A_632 = arith.constant 50048 : i32
        %ge3A_633 = vector.broadcast %ge3A_632 : i32 to vector<16xi32>
        %ge3A_634 = arith.cmpi sge, %get3A_631, %ge3A_633 : vector<16xi32>
        %sub3A_635 = arith.constant 50048 : i32
        %sub3A_636 = vector.broadcast %sub3A_635 : i32 to vector<16xi32>
        %sub3A_637 = arith.subi %get3A_631, %sub3A_636 : vector<16xi32>
        %gather3A_638 = tpu.vector_load_idx %arg6[%sub3A_637] masked %ge3A_634 : memref<49952xf32, #tpu.memory_space<vmem>>[vector<16xi32>], vector<16xf32>, vector<16xi1>
        %get3A_639 = arith.index_cast %mul3A_628 : i32 to index
        %get3A_640 = tpu.vector_load %arg9[%get3A_639] {strides = array<i32>} : memref<4096xf32, #tpu.memory_space<vmem>>, vector<16xf32>,
        %select_n3A_641 = arith.select %ge3A_634, %gather3A_638, %get3A_640 : vector<16xi1>, vector<16xf32>
        %swap3A_642 = arith.index_cast %mul3A_628 : i32 to index
        %swap3A_643 = tpu.vector_load %arg9[%swap3A_642] {strides = array<i32>} : memref<4096xf32, #tpu.memory_space<vmem>>, vector<16xf32>,
        tpu.vector_store %arg9[%swap3A_642], %select_n3A_641 {strides = array<i32>} : memref<4096xf32, #tpu.memory_space<vmem>>, vector<16xf32>,
        %mul3A_644 = arith.constant 16 : i32
        %mul3A_645 = arith.muli %scan3A_603, %mul3A_644 : i32
        %add3A_646 = arith.constant 2 : i32
        %add3A_647 = arith.addi %mul3A_645, %add3A_646 : i32
        %mul3A_648 = arith.constant 16 : i32
        %mul3A_649 = arith.muli %add3A_647, %mul3A_648 : i32
        %add3A_650 = arith.addi %mul3A_585, %mul3A_649 : i32
        %get3A_651 = arith.index_cast %add3A_650 : i32 to index
        %get3A_652 = tpu.vector_load %arg7[%get3A_651] {strides = array<i32>} : memref<8192xi32, #tpu.memory_space<vmem>>, vector<16xi32>,
        %ge3A_653 = arith.constant 50048 : i32
        %ge3A_654 = vector.broadcast %ge3A_653 : i32 to vector<16xi32>
        %ge3A_655 = arith.cmpi sge, %get3A_652, %ge3A_654 : vector<16xi32>
        %sub3A_656 = arith.constant 50048 : i32
        %sub3A_657 = vector.broadcast %sub3A_656 : i32 to vector<16xi32>
        %sub3A_658 = arith.subi %get3A_652, %sub3A_657 : vector<16xi32>
        %gather3A_659 = tpu.vector_load_idx %arg6[%sub3A_658] masked %ge3A_655 : memref<49952xf32, #tpu.memory_space<vmem>>[vector<16xi32>], vector<16xf32>, vector<16xi1>
        %get3A_660 = arith.index_cast %mul3A_649 : i32 to index
        %get3A_661 = tpu.vector_load %arg9[%get3A_660] {strides = array<i32>} : memref<4096xf32, #tpu.memory_space<vmem>>, vector<16xf32>,
        %select_n3A_662 = arith.select %ge3A_655, %gather3A_659, %get3A_661 : vector<16xi1>, vector<16xf32>
        %swap3A_663 = arith.index_cast %mul3A_649 : i32 to index
        %swap3A_664 = tpu.vector_load %arg9[%swap3A_663] {strides = array<i32>} : memref<4096xf32, #tpu.memory_space<vmem>>, vector<16xf32>,
        tpu.vector_store %arg9[%swap3A_663], %select_n3A_662 {strides = array<i32>} : memref<4096xf32, #tpu.memory_space<vmem>>, vector<16xf32>,
        %mul3A_665 = arith.constant 16 : i32
        %mul3A_666 = arith.muli %scan3A_603, %mul3A_665 : i32
        %add3A_667 = arith.constant 3 : i32
        %add3A_668 = arith.addi %mul3A_666, %add3A_667 : i32
        %mul3A_669 = arith.constant 16 : i32
        %mul3A_670 = arith.muli %add3A_668, %mul3A_669 : i32
        %add3A_671 = arith.addi %mul3A_585, %mul3A_670 : i32
        %get3A_672 = arith.index_cast %add3A_671 : i32 to index
        %get3A_673 = tpu.vector_load %arg7[%get3A_672] {strides = array<i32>} : memref<8192xi32, #tpu.memory_space<vmem>>, vector<16xi32>,
        %ge3A_674 = arith.constant 50048 : i32
        %ge3A_675 = vector.broadcast %ge3A_674 : i32 to vector<16xi32>
        %ge3A_676 = arith.cmpi sge, %get3A_673, %ge3A_675 : vector<16xi32>
        %sub3A_677 = arith.constant 50048 : i32
        %sub3A_678 = vector.broadcast %sub3A_677 : i32 to vector<16xi32>
        %sub3A_679 = arith.subi %get3A_673, %sub3A_678 : vector<16xi32>
        %gather3A_680 = tpu.vector_load_idx %arg6[%sub3A_679] masked %ge3A_676 : memref<49952xf32, #tpu.memory_space<vmem>>[vector<16xi32>], vector<16xf32>, vector<16xi1>
        %get3A_681 = arith.index_cast %mul3A_670 : i32 to index
        %get3A_682 = tpu.vector_load %arg9[%get3A_681] {strides = array<i32>} : memref<4096xf32, #tpu.memory_space<vmem>>, vector<16xf32>,
        %select_n3A_683 = arith.select %ge3A_676, %gather3A_680, %get3A_682 : vector<16xi1>, vector<16xf32>
        %swap3A_684 = arith.index_cast %mul3A_670 : i32 to index
        %swap3A_685 = tpu.vector_load %arg9[%swap3A_684] {strides = array<i32>} : memref<4096xf32, #tpu.memory_space<vmem>>, vector<16xf32>,
        tpu.vector_store %arg9[%swap3A_684], %select_n3A_683 {strides = array<i32>} : memref<4096xf32, #tpu.memory_space<vmem>>, vector<16xf32>,
        %mul3A_686 = arith.constant 16 : i32
        %mul3A_687 = arith.muli %scan3A_603, %mul3A_686 : i32
        %add3A_688 = arith.constant 4 : i32
        %add3A_689 = arith.addi %mul3A_687, %add3A_688 : i32
        %mul3A_690 = arith.constant 16 : i32
        %mul3A_691 = arith.muli %add3A_689, %mul3A_690 : i32
        %add3A_692 = arith.addi %mul3A_585, %mul3A_691 : i32
        %get3A_693 = arith.index_cast %add3A_692 : i32 to index
        %get3A_694 = tpu.vector_load %arg7[%get3A_693] {strides = array<i32>} : memref<8192xi32, #tpu.memory_space<vmem>>, vector<16xi32>,
        %ge3A_695 = arith.constant 50048 : i32
        %ge3A_696 = vector.broadcast %ge3A_695 : i32 to vector<16xi32>
        %ge3A_697 = arith.cmpi sge, %get3A_694, %ge3A_696 : vector<16xi32>
        %sub3A_698 = arith.constant 50048 : i32
        %sub3A_699 = vector.broadcast %sub3A_698 : i32 to vector<16xi32>
        %sub3A_700 = arith.subi %get3A_694, %sub3A_699 : vector<16xi32>
        %gather3A_701 = tpu.vector_load_idx %arg6[%sub3A_700] masked %ge3A_697 : memref<49952xf32, #tpu.memory_space<vmem>>[vector<16xi32>], vector<16xf32>, vector<16xi1>
        %get3A_702 = arith.index_cast %mul3A_691 : i32 to index
        %get3A_703 = tpu.vector_load %arg9[%get3A_702] {strides = array<i32>} : memref<4096xf32, #tpu.memory_space<vmem>>, vector<16xf32>,
        %select_n3A_704 = arith.select %ge3A_697, %gather3A_701, %get3A_703 : vector<16xi1>, vector<16xf32>
        %swap3A_705 = arith.index_cast %mul3A_691 : i32 to index
        %swap3A_706 = tpu.vector_load %arg9[%swap3A_705] {strides = array<i32>} : memref<4096xf32, #tpu.memory_space<vmem>>, vector<16xf32>,
        tpu.vector_store %arg9[%swap3A_705], %select_n3A_704 {strides = array<i32>} : memref<4096xf32, #tpu.memory_space<vmem>>, vector<16xf32>,
        %mul3A_707 = arith.constant 16 : i32
        %mul3A_708 = arith.muli %scan3A_603, %mul3A_707 : i32
        %add3A_709 = arith.constant 5 : i32
        %add3A_710 = arith.addi %mul3A_708, %add3A_709 : i32
        %mul3A_711 = arith.constant 16 : i32
        %mul3A_712 = arith.muli %add3A_710, %mul3A_711 : i32
        %add3A_713 = arith.addi %mul3A_585, %mul3A_712 : i32
        %get3A_714 = arith.index_cast %add3A_713 : i32 to index
        %get3A_715 = tpu.vector_load %arg7[%get3A_714] {strides = array<i32>} : memref<8192xi32, #tpu.memory_space<vmem>>, vector<16xi32>,
        %ge3A_716 = arith.constant 50048 : i32
        %ge3A_717 = vector.broadcast %ge3A_716 : i32 to vector<16xi32>
        %ge3A_718 = arith.cmpi sge, %get3A_715, %ge3A_717 : vector<16xi32>
        %sub3A_719 = arith.constant 50048 : i32
        %sub3A_720 = vector.broadcast %sub3A_719 : i32 to vector<16xi32>
        %sub3A_721 = arith.subi %get3A_715, %sub3A_720 : vector<16xi32>
        %gather3A_722 = tpu.vector_load_idx %arg6[%sub3A_721] masked %ge3A_718 : memref<49952xf32, #tpu.memory_space<vmem>>[vector<16xi32>], vector<16xf32>, vector<16xi1>
        %get3A_723 = arith.index_cast %mul3A_712 : i32 to index
        %get3A_724 = tpu.vector_load %arg9[%get3A_723] {strides = array<i32>} : memref<4096xf32, #tpu.memory_space<vmem>>, vector<16xf32>,
        %select_n3A_725 = arith.select %ge3A_718, %gather3A_722, %get3A_724 : vector<16xi1>, vector<16xf32>
        %swap3A_726 = arith.index_cast %mul3A_712 : i32 to index
        %swap3A_727 = tpu.vector_load %arg9[%swap3A_726] {strides = array<i32>} : memref<4096xf32, #tpu.memory_space<vmem>>, vector<16xf32>,
        tpu.vector_store %arg9[%swap3A_726], %select_n3A_725 {strides = array<i32>} : memref<4096xf32, #tpu.memory_space<vmem>>, vector<16xf32>,
        %mul3A_728 = arith.constant 16 : i32
        %mul3A_729 = arith.muli %scan3A_603, %mul3A_728 : i32
        %add3A_730 = arith.constant 6 : i32
        %add3A_731 = arith.addi %mul3A_729, %add3A_730 : i32
        %mul3A_732 = arith.constant 16 : i32
        %mul3A_733 = arith.muli %add3A_731, %mul3A_732 : i32
        %add3A_734 = arith.addi %mul3A_585, %mul3A_733 : i32
        %get3A_735 = arith.index_cast %add3A_734 : i32 to index
        %get3A_736 = tpu.vector_load %arg7[%get3A_735] {strides = array<i32>} : memref<8192xi32, #tpu.memory_space<vmem>>, vector<16xi32>,
        %ge3A_737 = arith.constant 50048 : i32
        %ge3A_738 = vector.broadcast %ge3A_737 : i32 to vector<16xi32>
        %ge3A_739 = arith.cmpi sge, %get3A_736, %ge3A_738 : vector<16xi32>
        %sub3A_740 = arith.constant 50048 : i32
        %sub3A_741 = vector.broadcast %sub3A_740 : i32 to vector<16xi32>
        %sub3A_742 = arith.subi %get3A_736, %sub3A_741 : vector<16xi32>
        %gather3A_743 = tpu.vector_load_idx %arg6[%sub3A_742] masked %ge3A_739 : memref<49952xf32, #tpu.memory_space<vmem>>[vector<16xi32>], vector<16xf32>, vector<16xi1>
        %get3A_744 = arith.index_cast %mul3A_733 : i32 to index
        %get3A_745 = tpu.vector_load %arg9[%get3A_744] {strides = array<i32>} : memref<4096xf32, #tpu.memory_space<vmem>>, vector<16xf32>,
        %select_n3A_746 = arith.select %ge3A_739, %gather3A_743, %get3A_745 : vector<16xi1>, vector<16xf32>
        %swap3A_747 = arith.index_cast %mul3A_733 : i32 to index
        %swap3A_748 = tpu.vector_load %arg9[%swap3A_747] {strides = array<i32>} : memref<4096xf32, #tpu.memory_space<vmem>>, vector<16xf32>,
        tpu.vector_store %arg9[%swap3A_747], %select_n3A_746 {strides = array<i32>} : memref<4096xf32, #tpu.memory_space<vmem>>, vector<16xf32>,
        %mul3A_749 = arith.constant 16 : i32
        %mul3A_750 = arith.muli %scan3A_603, %mul3A_749 : i32
        %add3A_751 = arith.constant 7 : i32
        %add3A_752 = arith.addi %mul3A_750, %add3A_751 : i32
        %mul3A_753 = arith.constant 16 : i32
        %mul3A_754 = arith.muli %add3A_752, %mul3A_753 : i32
        %add3A_755 = arith.addi %mul3A_585, %mul3A_754 : i32
        %get3A_756 = arith.index_cast %add3A_755 : i32 to index
        %get3A_757 = tpu.vector_load %arg7[%get3A_756] {strides = array<i32>} : memref<8192xi32, #tpu.memory_space<vmem>>, vector<16xi32>,
        %ge3A_758 = arith.constant 50048 : i32
        %ge3A_759 = vector.broadcast %ge3A_758 : i32 to vector<16xi32>
        %ge3A_760 = arith.cmpi sge, %get3A_757, %ge3A_759 : vector<16xi32>
        %sub3A_761 = arith.constant 50048 : i32
        %sub3A_762 = vector.broadcast %sub3A_761 : i32 to vector<16xi32>
        %sub3A_763 = arith.subi %get3A_757, %sub3A_762 : vector<16xi32>
        %gather3A_764 = tpu.vector_load_idx %arg6[%sub3A_763] masked %ge3A_760 : memref<49952xf32, #tpu.memory_space<vmem>>[vector<16xi32>], vector<16xf32>, vector<16xi1>
        %get3A_765 = arith.index_cast %mul3A_754 : i32 to index
        %get3A_766 = tpu.vector_load %arg9[%get3A_765] {strides = array<i32>} : memref<4096xf32, #tpu.memory_space<vmem>>, vector<16xf32>,
        %select_n3A_767 = arith.select %ge3A_760, %gather3A_764, %get3A_766 : vector<16xi1>, vector<16xf32>
        %swap3A_768 = arith.index_cast %mul3A_754 : i32 to index
        %swap3A_769 = tpu.vector_load %arg9[%swap3A_768] {strides = array<i32>} : memref<4096xf32, #tpu.memory_space<vmem>>, vector<16xf32>,
        tpu.vector_store %arg9[%swap3A_768], %select_n3A_767 {strides = array<i32>} : memref<4096xf32, #tpu.memory_space<vmem>>, vector<16xf32>,
        %mul3A_770 = arith.constant 16 : i32
        %mul3A_771 = arith.muli %scan3A_603, %mul3A_770 : i32
        %add3A_772 = arith.constant 8 : i32
        %add3A_773 = arith.addi %mul3A_771, %add3A_772 : i32
        %mul3A_774 = arith.constant 16 : i32
        %mul3A_775 = arith.muli %add3A_773, %mul3A_774 : i32
        %add3A_776 = arith.addi %mul3A_585, %mul3A_775 : i32
        %get3A_777 = arith.index_cast %add3A_776 : i32 to index
        %get3A_778 = tpu.vector_load %arg7[%get3A_777] {strides = array<i32>} : memref<8192xi32, #tpu.memory_space<vmem>>, vector<16xi32>,
        %ge3A_779 = arith.constant 50048 : i32
        %ge3A_780 = vector.broadcast %ge3A_779 : i32 to vector<16xi32>
        %ge3A_781 = arith.cmpi sge, %get3A_778, %ge3A_780 : vector<16xi32>
        %sub3A_782 = arith.constant 50048 : i32
        %sub3A_783 = vector.broadcast %sub3A_782 : i32 to vector<16xi32>
        %sub3A_784 = arith.subi %get3A_778, %sub3A_783 : vector<16xi32>
        %gather3A_785 = tpu.vector_load_idx %arg6[%sub3A_784] masked %ge3A_781 : memref<49952xf32, #tpu.memory_space<vmem>>[vector<16xi32>], vector<16xf32>, vector<16xi1>
        %get3A_786 = arith.index_cast %mul3A_775 : i32 to index
        %get3A_787 = tpu.vector_load %arg9[%get3A_786] {strides = array<i32>} : memref<4096xf32, #tpu.memory_space<vmem>>, vector<16xf32>,
        %select_n3A_788 = arith.select %ge3A_781, %gather3A_785, %get3A_787 : vector<16xi1>, vector<16xf32>
        %swap3A_789 = arith.index_cast %mul3A_775 : i32 to index
        %swap3A_790 = tpu.vector_load %arg9[%swap3A_789] {strides = array<i32>} : memref<4096xf32, #tpu.memory_space<vmem>>, vector<16xf32>,
        tpu.vector_store %arg9[%swap3A_789], %select_n3A_788 {strides = array<i32>} : memref<4096xf32, #tpu.memory_space<vmem>>, vector<16xf32>,
        %mul3A_791 = arith.constant 16 : i32
        %mul3A_792 = arith.muli %scan3A_603, %mul3A_791 : i32
        %add3A_793 = arith.constant 9 : i32
        %add3A_794 = arith.addi %mul3A_792, %add3A_793 : i32
        %mul3A_795 = arith.constant 16 : i32
        %mul3A_796 = arith.muli %add3A_794, %mul3A_795 : i32
        %add3A_797 = arith.addi %mul3A_585, %mul3A_796 : i32
        %get3A_798 = arith.index_cast %add3A_797 : i32 to index
        %get3A_799 = tpu.vector_load %arg7[%get3A_798] {strides = array<i32>} : memref<8192xi32, #tpu.memory_space<vmem>>, vector<16xi32>,
        %ge3A_800 = arith.constant 50048 : i32
        %ge3A_801 = vector.broadcast %ge3A_800 : i32 to vector<16xi32>
        %ge3A_802 = arith.cmpi sge, %get3A_799, %ge3A_801 : vector<16xi32>
        %sub3A_803 = arith.constant 50048 : i32
        %sub3A_804 = vector.broadcast %sub3A_803 : i32 to vector<16xi32>
        %sub3A_805 = arith.subi %get3A_799, %sub3A_804 : vector<16xi32>
        %gather3A_806 = tpu.vector_load_idx %arg6[%sub3A_805] masked %ge3A_802 : memref<49952xf32, #tpu.memory_space<vmem>>[vector<16xi32>], vector<16xf32>, vector<16xi1>
        %get3A_807 = arith.index_cast %mul3A_796 : i32 to index
        %get3A_808 = tpu.vector_load %arg9[%get3A_807] {strides = array<i32>} : memref<4096xf32, #tpu.memory_space<vmem>>, vector<16xf32>,
        %select_n3A_809 = arith.select %ge3A_802, %gather3A_806, %get3A_808 : vector<16xi1>, vector<16xf32>
        %swap3A_810 = arith.index_cast %mul3A_796 : i32 to index
        %swap3A_811 = tpu.vector_load %arg9[%swap3A_810] {strides = array<i32>} : memref<4096xf32, #tpu.memory_space<vmem>>, vector<16xf32>,
        tpu.vector_store %arg9[%swap3A_810], %select_n3A_809 {strides = array<i32>} : memref<4096xf32, #tpu.memory_space<vmem>>, vector<16xf32>,
        %mul3A_812 = arith.constant 16 : i32
        %mul3A_813 = arith.muli %scan3A_603, %mul3A_812 : i32
        %add3A_814 = arith.constant 10 : i32
        %add3A_815 = arith.addi %mul3A_813, %add3A_814 : i32
        %mul3A_816 = arith.constant 16 : i32
        %mul3A_817 = arith.muli %add3A_815, %mul3A_816 : i32
        %add3A_818 = arith.addi %mul3A_585, %mul3A_817 : i32
        %get3A_819 = arith.index_cast %add3A_818 : i32 to index
        %get3A_820 = tpu.vector_load %arg7[%get3A_819] {strides = array<i32>} : memref<8192xi32, #tpu.memory_space<vmem>>, vector<16xi32>,
        %ge3A_821 = arith.constant 50048 : i32
        %ge3A_822 = vector.broadcast %ge3A_821 : i32 to vector<16xi32>
        %ge3A_823 = arith.cmpi sge, %get3A_820, %ge3A_822 : vector<16xi32>
        %sub3A_824 = arith.constant 50048 : i32
        %sub3A_825 = vector.broadcast %sub3A_824 : i32 to vector<16xi32>
        %sub3A_826 = arith.subi %get3A_820, %sub3A_825 : vector<16xi32>
        %gather3A_827 = tpu.vector_load_idx %arg6[%sub3A_826] masked %ge3A_823 : memref<49952xf32, #tpu.memory_space<vmem>>[vector<16xi32>], vector<16xf32>, vector<16xi1>
        %get3A_828 = arith.index_cast %mul3A_817 : i32 to index
        %get3A_829 = tpu.vector_load %arg9[%get3A_828] {strides = array<i32>} : memref<4096xf32, #tpu.memory_space<vmem>>, vector<16xf32>,
        %select_n3A_830 = arith.select %ge3A_823, %gather3A_827, %get3A_829 : vector<16xi1>, vector<16xf32>
        %swap3A_831 = arith.index_cast %mul3A_817 : i32 to index
        %swap3A_832 = tpu.vector_load %arg9[%swap3A_831] {strides = array<i32>} : memref<4096xf32, #tpu.memory_space<vmem>>, vector<16xf32>,
        tpu.vector_store %arg9[%swap3A_831], %select_n3A_830 {strides = array<i32>} : memref<4096xf32, #tpu.memory_space<vmem>>, vector<16xf32>,
        %mul3A_833 = arith.constant 16 : i32
        %mul3A_834 = arith.muli %scan3A_603, %mul3A_833 : i32
        %add3A_835 = arith.constant 11 : i32
        %add3A_836 = arith.addi %mul3A_834, %add3A_835 : i32
        %mul3A_837 = arith.constant 16 : i32
        %mul3A_838 = arith.muli %add3A_836, %mul3A_837 : i32
        %add3A_839 = arith.addi %mul3A_585, %mul3A_838 : i32
        %get3A_840 = arith.index_cast %add3A_839 : i32 to index
        %get3A_841 = tpu.vector_load %arg7[%get3A_840] {strides = array<i32>} : memref<8192xi32, #tpu.memory_space<vmem>>, vector<16xi32>,
        %ge3A_842 = arith.constant 50048 : i32
        %ge3A_843 = vector.broadcast %ge3A_842 : i32 to vector<16xi32>
        %ge3A_844 = arith.cmpi sge, %get3A_841, %ge3A_843 : vector<16xi32>
        %sub3A_845 = arith.constant 50048 : i32
        %sub3A_846 = vector.broadcast %sub3A_845 : i32 to vector<16xi32>
        %sub3A_847 = arith.subi %get3A_841, %sub3A_846 : vector<16xi32>
        %gather3A_848 = tpu.vector_load_idx %arg6[%sub3A_847] masked %ge3A_844 : memref<49952xf32, #tpu.memory_space<vmem>>[vector<16xi32>], vector<16xf32>, vector<16xi1>
        %get3A_849 = arith.index_cast %mul3A_838 : i32 to index
        %get3A_850 = tpu.vector_load %arg9[%get3A_849] {strides = array<i32>} : memref<4096xf32, #tpu.memory_space<vmem>>, vector<16xf32>,
        %select_n3A_851 = arith.select %ge3A_844, %gather3A_848, %get3A_850 : vector<16xi1>, vector<16xf32>
        %swap3A_852 = arith.index_cast %mul3A_838 : i32 to index
        %swap3A_853 = tpu.vector_load %arg9[%swap3A_852] {strides = array<i32>} : memref<4096xf32, #tpu.memory_space<vmem>>, vector<16xf32>,
        tpu.vector_store %arg9[%swap3A_852], %select_n3A_851 {strides = array<i32>} : memref<4096xf32, #tpu.memory_space<vmem>>, vector<16xf32>,
        %mul3A_854 = arith.constant 16 : i32
        %mul3A_855 = arith.muli %scan3A_603, %mul3A_854 : i32
        %add3A_856 = arith.constant 12 : i32
        %add3A_857 = arith.addi %mul3A_855, %add3A_856 : i32
        %mul3A_858 = arith.constant 16 : i32
        %mul3A_859 = arith.muli %add3A_857, %mul3A_858 : i32
        %add3A_860 = arith.addi %mul3A_585, %mul3A_859 : i32
        %get3A_861 = arith.index_cast %add3A_860 : i32 to index
        %get3A_862 = tpu.vector_load %arg7[%get3A_861] {strides = array<i32>} : memref<8192xi32, #tpu.memory_space<vmem>>, vector<16xi32>,
        %ge3A_863 = arith.constant 50048 : i32
        %ge3A_864 = vector.broadcast %ge3A_863 : i32 to vector<16xi32>
        %ge3A_865 = arith.cmpi sge, %get3A_862, %ge3A_864 : vector<16xi32>
        %sub3A_866 = arith.constant 50048 : i32
        %sub3A_867 = vector.broadcast %sub3A_866 : i32 to vector<16xi32>
        %sub3A_868 = arith.subi %get3A_862, %sub3A_867 : vector<16xi32>
        %gather3A_869 = tpu.vector_load_idx %arg6[%sub3A_868] masked %ge3A_865 : memref<49952xf32, #tpu.memory_space<vmem>>[vector<16xi32>], vector<16xf32>, vector<16xi1>
        %get3A_870 = arith.index_cast %mul3A_859 : i32 to index
        %get3A_871 = tpu.vector_load %arg9[%get3A_870] {strides = array<i32>} : memref<4096xf32, #tpu.memory_space<vmem>>, vector<16xf32>,
        %select_n3A_872 = arith.select %ge3A_865, %gather3A_869, %get3A_871 : vector<16xi1>, vector<16xf32>
        %swap3A_873 = arith.index_cast %mul3A_859 : i32 to index
        %swap3A_874 = tpu.vector_load %arg9[%swap3A_873] {strides = array<i32>} : memref<4096xf32, #tpu.memory_space<vmem>>, vector<16xf32>,
        tpu.vector_store %arg9[%swap3A_873], %select_n3A_872 {strides = array<i32>} : memref<4096xf32, #tpu.memory_space<vmem>>, vector<16xf32>,
        %mul3A_875 = arith.constant 16 : i32
        %mul3A_876 = arith.muli %scan3A_603, %mul3A_875 : i32
        %add3A_877 = arith.constant 13 : i32
        %add3A_878 = arith.addi %mul3A_876, %add3A_877 : i32
        %mul3A_879 = arith.constant 16 : i32
        %mul3A_880 = arith.muli %add3A_878, %mul3A_879 : i32
        %add3A_881 = arith.addi %mul3A_585, %mul3A_880 : i32
        %get3A_882 = arith.index_cast %add3A_881 : i32 to index
        %get3A_883 = tpu.vector_load %arg7[%get3A_882] {strides = array<i32>} : memref<8192xi32, #tpu.memory_space<vmem>>, vector<16xi32>,
        %ge3A_884 = arith.constant 50048 : i32
        %ge3A_885 = vector.broadcast %ge3A_884 : i32 to vector<16xi32>
        %ge3A_886 = arith.cmpi sge, %get3A_883, %ge3A_885 : vector<16xi32>
        %sub3A_887 = arith.constant 50048 : i32
        %sub3A_888 = vector.broadcast %sub3A_887 : i32 to vector<16xi32>
        %sub3A_889 = arith.subi %get3A_883, %sub3A_888 : vector<16xi32>
        %gather3A_890 = tpu.vector_load_idx %arg6[%sub3A_889] masked %ge3A_886 : memref<49952xf32, #tpu.memory_space<vmem>>[vector<16xi32>], vector<16xf32>, vector<16xi1>
        %get3A_891 = arith.index_cast %mul3A_880 : i32 to index
        %get3A_892 = tpu.vector_load %arg9[%get3A_891] {strides = array<i32>} : memref<4096xf32, #tpu.memory_space<vmem>>, vector<16xf32>,
        %select_n3A_893 = arith.select %ge3A_886, %gather3A_890, %get3A_892 : vector<16xi1>, vector<16xf32>
        %swap3A_894 = arith.index_cast %mul3A_880 : i32 to index
        %swap3A_895 = tpu.vector_load %arg9[%swap3A_894] {strides = array<i32>} : memref<4096xf32, #tpu.memory_space<vmem>>, vector<16xf32>,
        tpu.vector_store %arg9[%swap3A_894], %select_n3A_893 {strides = array<i32>} : memref<4096xf32, #tpu.memory_space<vmem>>, vector<16xf32>,
        %mul3A_896 = arith.constant 16 : i32
        %mul3A_897 = arith.muli %scan3A_603, %mul3A_896 : i32
        %add3A_898 = arith.constant 14 : i32
        %add3A_899 = arith.addi %mul3A_897, %add3A_898 : i32
        %mul3A_900 = arith.constant 16 : i32
        %mul3A_901 = arith.muli %add3A_899, %mul3A_900 : i32
        %add3A_902 = arith.addi %mul3A_585, %mul3A_901 : i32
        %get3A_903 = arith.index_cast %add3A_902 : i32 to index
        %get3A_904 = tpu.vector_load %arg7[%get3A_903] {strides = array<i32>} : memref<8192xi32, #tpu.memory_space<vmem>>, vector<16xi32>,
        %ge3A_905 = arith.constant 50048 : i32
        %ge3A_906 = vector.broadcast %ge3A_905 : i32 to vector<16xi32>
        %ge3A_907 = arith.cmpi sge, %get3A_904, %ge3A_906 : vector<16xi32>
        %sub3A_908 = arith.constant 50048 : i32
        %sub3A_909 = vector.broadcast %sub3A_908 : i32 to vector<16xi32>
        %sub3A_910 = arith.subi %get3A_904, %sub3A_909 : vector<16xi32>
        %gather3A_911 = tpu.vector_load_idx %arg6[%sub3A_910] masked %ge3A_907 : memref<49952xf32, #tpu.memory_space<vmem>>[vector<16xi32>], vector<16xf32>, vector<16xi1>
        %get3A_912 = arith.index_cast %mul3A_901 : i32 to index
        %get3A_913 = tpu.vector_load %arg9[%get3A_912] {strides = array<i32>} : memref<4096xf32, #tpu.memory_space<vmem>>, vector<16xf32>,
        %select_n3A_914 = arith.select %ge3A_907, %gather3A_911, %get3A_913 : vector<16xi1>, vector<16xf32>
        %swap3A_915 = arith.index_cast %mul3A_901 : i32 to index
        %swap3A_916 = tpu.vector_load %arg9[%swap3A_915] {strides = array<i32>} : memref<4096xf32, #tpu.memory_space<vmem>>, vector<16xf32>,
        tpu.vector_store %arg9[%swap3A_915], %select_n3A_914 {strides = array<i32>} : memref<4096xf32, #tpu.memory_space<vmem>>, vector<16xf32>,
        %mul3A_917 = arith.constant 16 : i32
        %mul3A_918 = arith.muli %scan3A_603, %mul3A_917 : i32
        %add3A_919 = arith.constant 15 : i32
        %add3A_920 = arith.addi %mul3A_918, %add3A_919 : i32
        %mul3A_921 = arith.constant 16 : i32
        %mul3A_922 = arith.muli %add3A_920, %mul3A_921 : i32
        %add3A_923 = arith.addi %mul3A_585, %mul3A_922 : i32
        %get3A_924 = arith.index_cast %add3A_923 : i32 to index
        %get3A_925 = tpu.vector_load %arg7[%get3A_924] {strides = array<i32>} : memref<8192xi32, #tpu.memory_space<vmem>>, vector<16xi32>,
        %ge3A_926 = arith.constant 50048 : i32
        %ge3A_927 = vector.broadcast %ge3A_926 : i32 to vector<16xi32>
        %ge3A_928 = arith.cmpi sge, %get3A_925, %ge3A_927 : vector<16xi32>
        %sub3A_929 = arith.constant 50048 : i32
        %sub3A_930 = vector.broadcast %sub3A_929 : i32 to vector<16xi32>
        %sub3A_931 = arith.subi %get3A_925, %sub3A_930 : vector<16xi32>
        %gather3A_932 = tpu.vector_load_idx %arg6[%sub3A_931] masked %ge3A_928 : memref<49952xf32, #tpu.memory_space<vmem>>[vector<16xi32>], vector<16xf32>, vector<16xi1>
        %get3A_933 = arith.index_cast %mul3A_922 : i32 to index
        %get3A_934 = tpu.vector_load %arg9[%get3A_933] {strides = array<i32>} : memref<4096xf32, #tpu.memory_space<vmem>>, vector<16xf32>,
        %select_n3A_935 = arith.select %ge3A_928, %gather3A_932, %get3A_934 : vector<16xi1>, vector<16xf32>
        %swap3A_936 = arith.index_cast %mul3A_922 : i32 to index
        %swap3A_937 = tpu.vector_load %arg9[%swap3A_936] {strides = array<i32>} : memref<4096xf32, #tpu.memory_space<vmem>>, vector<16xf32>,
        tpu.vector_store %arg9[%swap3A_936], %select_n3A_935 {strides = array<i32>} : memref<4096xf32, #tpu.memory_space<vmem>>, vector<16xf32>,
        %scan3A_938 = arith.constant 0 : i32
        scf.yield %scan3A_938 : i32
      }
      %scan3A_592 = arith.constant 16 : i32
      %convert_element_type3A_593 = arith.extui %le3A_429 : i1 to i32
      %cond3A_594 = arith.constant 0 : i32
      %cond3A_595 = arith.cmpi ne, %convert_element_type3A_593, %cond3A_594 : i32
      scf.if %cond3A_595 {
        %jit3A_603 = arith.constant 64 : i32
        %div3A_604 = arith.divsi %add3A_428, %jit3A_603 : i32
        %sign3A_605 = arith.constant 0 : i32
        %sign3A_606 = arith.cmpi sgt, %add3A_428, %sign3A_605 : i32
        %sign3A_607 = arith.extui %sign3A_606 : i1 to i32
        %sign3A_608 = arith.constant 0 : i32
        %sign3A_609 = arith.cmpi slt, %add3A_428, %sign3A_608 : i32
        %sign3A_610 = arith.extui %sign3A_609 : i1 to i32
        %sign3A_611 = arith.subi %sign3A_607, %sign3A_610 : i32
        %sign3A_612 = arith.constant 0 : i32
        %sign3A_613 = arith.cmpi sgt, %jit3A_603, %sign3A_612 : i32
        %sign3A_614 = arith.extui %sign3A_613 : i1 to i32
        %sign3A_615 = arith.constant 0 : i32
        %sign3A_616 = arith.cmpi slt, %jit3A_603, %sign3A_615 : i32
        %sign3A_617 = arith.extui %sign3A_616 : i1 to i32
        %sign3A_618 = arith.subi %sign3A_614, %sign3A_617 : i32
        %ne3A_619 = arith.cmpi ne, %sign3A_611, %sign3A_618 : i32
        %rem3A_620 = arith.remsi %add3A_428, %jit3A_603 : i32
        %ne3A_621 = arith.constant 0 : i32
        %ne3A_622 = arith.cmpi ne, %rem3A_620, %ne3A_621 : i32
        %and3A_623 = arith.andi %ne3A_619, %ne3A_622 : i1
        %sub3A_624 = arith.constant 1 : i32
        %sub3A_625 = arith.subi %div3A_604, %sub3A_624 : i32
        %select_n3A_626 = arith.select %and3A_623, %sub3A_625, %div3A_604 : i32
        %jit3A_627 = arith.constant 64 : i32
        %eq3A_628 = arith.constant 0 : i32
        %eq3A_629 = arith.cmpi eq, %jit3A_627, %eq3A_628 : i32
        %jit3A_630 = arith.constant 1 : i32
        %select_n3A_631 = arith.select %eq3A_629, %jit3A_630, %jit3A_627 : i32
        %rem3A_632 = arith.remsi %add3A_428, %select_n3A_631 : i32
        %ne3A_633 = arith.constant 0 : i32
        %ne3A_634 = arith.cmpi ne, %rem3A_632, %ne3A_633 : i32
        %lt3A_635 = arith.constant 0 : i32
        %lt3A_636 = arith.cmpi slt, %rem3A_632, %lt3A_635 : i32
        %lt3A_637 = arith.constant 0 : i32
        %lt3A_638 = arith.cmpi slt, %select_n3A_631, %lt3A_637 : i32
        %ne3A_639 = arith.xori %lt3A_636, %lt3A_638 : i1
        %and3A_640 = arith.andi %ne3A_639, %ne3A_634 : i1
        %add3A_641 = arith.addi %rem3A_632, %select_n3A_631 : i32
        %select_n3A_642 = arith.select %and3A_640, %add3A_641, %rem3A_632 : i32
        %dma_start3A_643 = arith.constant 50048 : i32
        %dma_start3A_644 = tpu.memref_slice %arg3[%select_n3A_626, %select_n3A_642, %dma_start3A_643] : memref<26x64x100000xf32, #tpu.memory_space<hbm>> -> memref<1x1x49952xf32, #tpu.memory_space<hbm>>
        %dma_start3A_645 = tpu.memref_squeeze %dma_start3A_644 : memref<1x1x49952xf32, #tpu.memory_space<hbm>> -> memref<49952xf32, #tpu.memory_space<hbm>>
        %dma_start3A_646 = arith.constant 50048 : i32
        %dma_start3A_647 = tpu.memref_slice %arg3[%select_n3A_626, %select_n3A_642, %dma_start3A_646] : memref<26x64x100000xf32, #tpu.memory_space<hbm>> -> memref<1x1x49952xf32, #tpu.memory_space<hbm>>
        %dma_start3A_648 = tpu.memref_squeeze %dma_start3A_647 : memref<1x1x49952xf32, #tpu.memory_space<hbm>> -> memref<49952xf32, #tpu.memory_space<hbm>>
        tpu.enqueue_dma source(%dma_start3A_648 : memref<49952xf32, #tpu.memory_space<hbm>>) target(%arg6 : memref<49952xf32, #tpu.memory_space<vmem>>) target_semaphore(%arg11 : memref<!tpu.dma_semaphore, #tpu.memory_space<semaphore_mem>>)
      } else {
      }
      %dma_start3A_596 = arith.constant 0 : i32
      %dma_start3A_597 = tpu.memref_slice %arg4[%add3A_426, %dma_start3A_596] : memref<1664x4096xf32, #tpu.memory_space<hbm>> -> memref<1x4096xf32, #tpu.memory_space<hbm>>
      %dma_start3A_598 = tpu.memref_squeeze %dma_start3A_597 : memref<1x4096xf32, #tpu.memory_space<hbm>> -> memref<4096xf32, #tpu.memory_space<hbm>>
      %dma_start3A_599 = arith.constant 0 : i32
      %dma_start3A_600 = tpu.memref_slice %arg4[%add3A_426, %dma_start3A_599] : memref<1664x4096xf32, #tpu.memory_space<hbm>> -> memref<1x4096xf32, #tpu.memory_space<hbm>>
      %dma_start3A_601 = tpu.memref_squeeze %dma_start3A_600 : memref<1x4096xf32, #tpu.memory_space<hbm>> -> memref<4096xf32, #tpu.memory_space<hbm>>
      tpu.enqueue_dma source(%arg9 : memref<4096xf32, #tpu.memory_space<vmem>>) target(%dma_start3A_601 : memref<4096xf32, #tpu.memory_space<hbm>>) target_semaphore(%arg13 : memref<!tpu.dma_semaphore, #tpu.memory_space<semaphore_mem>>)
      %scan3A_602 = arith.constant 0 : i32
      scf.yield %scan3A_602 : i32
    }
    %scan3A_141 = arith.constant 26 : i32
    %dma_wait3A = arith.constant 0 : i32
    %dma_wait3A_142 = tpu.memref_slice %arg4[%mul3A_2, %dma_wait3A] : memref<1664x4096xf32, #tpu.memory_space<hbm>> -> memref<1x4096xf32, #tpu.memory_space<hbm>>
    %dma_wait3A_143 = tpu.memref_squeeze %dma_wait3A_142 : memref<1x4096xf32, #tpu.memory_space<hbm>> -> memref<4096xf32, #tpu.memory_space<hbm>>
    %dma_wait3A_144 = arith.constant 0 : i32
    %dma_wait3A_145 = tpu.memref_slice %arg4[%mul3A_2, %dma_wait3A_144] : memref<1664x4096xf32, #tpu.memory_space<hbm>> -> memref<1x4096xf32, #tpu.memory_space<hbm>>
    %dma_wait3A_146 = tpu.memref_squeeze %dma_wait3A_145 : memref<1x4096xf32, #tpu.memory_space<hbm>> -> memref<4096xf32, #tpu.memory_space<hbm>>
    tpu.wait_dma2 semaphore(%arg12 : memref<!tpu.dma_semaphore, #tpu.memory_space<semaphore_mem>>) src(%arg8 : memref<4096xf32, #tpu.memory_space<vmem>>) dst(%dma_wait3A_146 : memref<4096xf32, #tpu.memory_space<hbm>>)
    %dma_wait3A_147 = arith.constant 0 : i32
    %dma_wait3A_148 = tpu.memref_slice %arg4[%mul3A_2, %dma_wait3A_147] : memref<1664x4096xf32, #tpu.memory_space<hbm>> -> memref<1x4096xf32, #tpu.memory_space<hbm>>
    %dma_wait3A_149 = tpu.memref_squeeze %dma_wait3A_148 : memref<1x4096xf32, #tpu.memory_space<hbm>> -> memref<4096xf32, #tpu.memory_space<hbm>>
    %dma_wait3A_150 = arith.constant 0 : i32
    %dma_wait3A_151 = tpu.memref_slice %arg4[%mul3A_2, %dma_wait3A_150] : memref<1664x4096xf32, #tpu.memory_space<hbm>> -> memref<1x4096xf32, #tpu.memory_space<hbm>>
    %dma_wait3A_152 = tpu.memref_squeeze %dma_wait3A_151 : memref<1x4096xf32, #tpu.memory_space<hbm>> -> memref<4096xf32, #tpu.memory_space<hbm>>
    tpu.wait_dma2 semaphore(%arg13 : memref<!tpu.dma_semaphore, #tpu.memory_space<semaphore_mem>>) src(%arg9 : memref<4096xf32, #tpu.memory_space<vmem>>) dst(%dma_wait3A_152 : memref<4096xf32, #tpu.memory_space<hbm>>)
    return
  }
}

</mosaic_0001>

<sc_bundles>
// kernel: kernel.3.cloned.1.call-start
scs
__scs_entry_jumppad:
0x0: {  	(pc) =	sbr.rel $0x88, $3  }
0x1: {  	(tag) =	ssettag $0x0;
	lr =	simm.s32 $0x1  }
0x2: {  	[smem:$0x3F9F] =	sst lr;
	_ =	strace $0xD0000000  }
0x3: {  	_ = 	snop  }
0x4: {  	_ = 	snop  }
0x5: {  	_ = 	snop  }
0x6: {  	_ = 	snop  }
0x7: {  	_ = 	snop  }
__scs_overlays_trampoline_lowered:
0x8: {  	[smem:$0x3FAE] =	sst s0  }
0x9: {  	[smem:$0x3FAF] =	sst s1  }
0xa: {  	[smem:$0x3FB0] =	sst s2  }
0xb: {  	[smem:$0x3FB1] =	sst s3  }
0xc: {  	[smem:$0x3FB2] =	sst s4  }
0xd: {  	[smem:$0x3FB3] =	sst s5  }
0xe: {  	[smem:$0x3FB4] =	sst s6  }
0xf: {  	[smem:$0x3FB5] =	sst s7  }
0x10: {  	[smem:$0x3FB6] =	sst s8  }
0x11: {  	[smem:$0x3FB7] =	sst s9;
	s0 =	simm.s32 @!p0 $0x0  }
0x12: {  	s1 =	sld [smem:$0x3F9D];
	s0 =	simm.s32 @p0 $0x1  }
0x13: {  	[smem:$0x3FB8] =	sst s0;
	s0 =	simm.s32 @!p1 $0x0  }
0x14: {  	s2 =	sld [smem:$0x3F9C];
	s0 =	simm.s32 @p1 $0x1  }
0x15: {  	[smem:$0x3FB9] =	sst s0;
	s0 =	simm.s32 @!p2 $0x0  }
0x16: {  	s3 =	sld [smem:$0x3FDB];
	s0 =	simm.s32 @p2 $0x1  }
0x17: {  	s4 =	simm.s32 $0x1BF5;
	[smem:$0x3FBB] =	sst s0  }
0x18: {  	s0 =	sld [smem:$0x3F9E];
	_ =	swait.ge [sflag:s4], $0x0  }
0x19: {  	s7 =	sld [smem:$0x3F9F]  }
0x1a: {  	s8 =	sadd.s32 $0xFFFFE003, lr  }
0x1b: {  	s9 =	sadd.s32 $0xFFFFFEF7, lr;
	s5 =	simm.s32 $0xFFFFFFFF;
	p2 =	slt.u32 s8, $0xFFFFF086  }
0x1c: {  	p1 =	slt.u32 s9, $0xF7A;
	s5 =	simm.s32 @!p2 $0x0  }
0x1d: {  	s5 =	simm.s32 @p1 $0x1;
	p0 =	seq.s32 s7, s2  }
0x1e: {  	s7 =	smul.u32 @!p0 $0xF7A, s2;
	p2 =	seq.s32 @!p0 s5, $0x0  }
0x1f: {  	s9 =	smul.u32 $0xF7A, s1;
	s8 =	simm.s32 @!p0 $0x1BF5;
	p2 =	por !p2, p0  }
0x20: {  	[sflag:s8] =	ssyncset.s32 @!p0 $0xFFFFF086;
	s6 =	sadd.s32 @!p0 s3, s7;
	s7 =	simm.s32 @!p0 $0x108  }
0x21: {  	s3 =	sadd.s32 s3, s9;
	s6 =	sadd.s32 @!p0 $0x88, s6;
	s7 =	simm.s32 @p2 $0x1082  }
0x22: {  	[simem:s7], [sflag:s8] =	dma.local @!p0 [hbm:s6], $0xF7A  }
0x23: {  	s9 =	sor.u32 $0xD0000000, s2;
	s6 =	simm.s32 $0x108;
	_ =	swait.ge @!p0 [sflag:s8], $0x0  }
0x24: {  	s3 =	sadd.s32 $0x88, s3;
	s6 =	simm.s32 @!p1 $0x1082;
	[sflag:s4] =	ssyncset.s32 $0xFFFFF086  }
0x25: {  	[simem:s6], [sflag:s4] =	dma.local [hbm:s3], $0xF7A  }
0x26: {  	[smem:$0x3F9F] =	sst s1;
	(tag) =	ssettag s2;
	_ =	strace s9  }
0x27: {  	s1 =	sld [smem:$0x3FAF]  }
0x28: {  	s2 =	sld [smem:$0x3FB0]  }
0x29: {  	s4 =	sld [smem:$0x3FB2]  }
0x2a: {  	p0 =	seq.s32 s5, $0x0;
	s5 =	sld [smem:$0x3FB3]  }
0x2b: {  	s6 =	sld [smem:$0x3FB4]  }
0x2c: {  	s7 =	sld [smem:$0x3FB5]  }
0x2d: {  	s3 =	simm.s32 $0x108;
	s8 =	sld [smem:$0x3FB6]  }
0x2e: {  	s3 =	simm.s32 @!p0 $0x1082;
	s9 =	sld [smem:$0x3FB7]  }
0x2f: {  	lr =	sadd.s32 s0, s3;
	s0 =	sld [smem:$0x3FAE]  }
0x30: {  	s3 =	sld [smem:$0x3FB1]  }
0x31: {  	[smem:$0x3FBA] =	sst s10  }
0x32: {  	s10 =	sld [smem:$0x3FB8];
	_ =	sdelay $0x3  }
0x33: {  	p0 =	seq.s32 s10, $0x1;
	s10 =	sld [smem:$0x3FBA];
	_ =	sdelay $0x3  }
0x34: {  	[smem:$0x3FBA] =	sst s10  }
0x35: {  	s10 =	sld [smem:$0x3FB9];
	_ =	sdelay $0x3  }
0x36: {  	p1 =	seq.s32 s10, $0x1;
	s10 =	sld [smem:$0x3FBA];
	_ =	sdelay $0x3  }
0x37: {  	[smem:$0x3FBA] =	sst s10  }
0x38: {  	s10 =	sld [smem:$0x3FBB]  }
0x39: {  	_ = 	snop;
	(pc) =	sbr.ind lr, $3  }
0x3a: {  	_ = 	snop  }
0x3b: {  	_ = 	snop  }
0x3c: {  	p2 =	seq.s32 s10, $0x1;
	s10 =	sld [smem:$0x3FBA]  }
0x3d: {  	_ =	shalt  }
0x3e: {  	_ =	shalt  }
0x3f: {  	_ =	shalt  }
0x40: {  	_ =	shalt  }
0x41: {  	_ =	shalt  }
0x42: {  	_ =	shalt  }
0x43: {  	_ =	shalt  }
0x44: {  	_ =	shalt  }
0x45: {  	_ =	shalt  }
0x46: {  	_ =	shalt  }
0x47: {  	_ =	shalt  }
0x48: {  	_ =	shalt  }
0x49: {  	_ =	shalt  }
0x4a: {  	_ =	shalt  }
0x4b: {  	_ =	shalt  }
0x4c: {  	_ =	shalt  }
0x4d: {  	_ =	shalt  }
0x4e: {  	_ =	shalt  }
0x4f: {  	_ =	shalt  }
0x50: {  	_ =	shalt  }
0x51: {  	_ =	shalt  }
0x52: {  	_ =	shalt  }
0x53: {  	_ =	shalt  }
0x54: {  	_ =	shalt  }
0x55: {  	_ =	shalt  }
0x56: {  	_ =	shalt  }
0x57: {  	_ =	shalt  }
0x58: {  	_ =	shalt  }
0x59: {  	_ =	shalt  }
0x5a: {  	_ =	shalt  }
0x5b: {  	_ =	shalt  }
0x5c: {  	_ =	shalt  }
0x5d: {  	_ =	shalt  }
0x5e: {  	_ =	shalt  }
0x5f: {  	_ =	shalt  }
0x60: {  	_ =	shalt  }
0x61: {  	_ =	shalt  }
0x62: {  	_ =	shalt  }
0x63: {  	_ =	shalt  }
0x64: {  	_ =	shalt  }
0x65: {  	_ =	shalt  }
0x66: {  	_ =	shalt  }
0x67: {  	_ =	shalt  }
0x68: {  	_ =	shalt  }
0x69: {  	_ =	shalt  }
0x6a: {  	_ =	shalt  }
0x6b: {  	_ =	shalt  }
0x6c: {  	_ =	shalt  }
0x6d: {  	_ =	shalt  }
0x6e: {  	_ =	shalt  }
0x6f: {  	_ =	shalt  }
0x70: {  	_ =	shalt  }
0x71: {  	_ =	shalt  }
0x72: {  	_ =	shalt  }
0x73: {  	_ =	shalt  }
0x74: {  	_ =	shalt  }
0x75: {  	_ =	shalt  }
0x76: {  	_ =	shalt  }
0x77: {  	_ =	shalt  }
0x78: {  	_ =	shalt  }
0x79: {  	_ =	shalt  }
0x7a: {  	_ =	shalt  }
0x7b: {  	_ =	shalt  }
0x7c: {  	_ =	shalt  }
0x7d: {  	_ =	shalt  }
0x7e: {  	_ =	shalt  }
0x7f: {  	_ =	shalt  }
0x80: {  	_ =	shalt  }
0x81: {  	_ =	shalt  }
0x82: {  	_ =	shalt  }
0x83: {  	_ =	shalt  }
0x84: {  	_ =	shalt  }
0x85: {  	_ =	shalt  }
0x86: {  	_ =	shalt  }
0x87: {  	_ =	shalt  }
.Lfunc_end0:
.L_simem_size_0:
called_computation_lowered:
.L_overlay_start_0:
0x88: {  	s2 =	sld [smem:$0x3FD9]  }
0x89: {  	s3 =	sld [smem:$0x3FFE];
	_ =	sdelay $0x1  }
0x8a: {  	s1 =	srdreg.scid  }
0x8b: {  	s0 =	sand.u32 $0x1, s1  }
0x8c: {  	s17 =	sshll.u32 s0, $0xA;
	s2 =	sadd.s32 s3, s2  }
0x8d: {  	s2 =	sadd.s32 s2, s17  }
0x8e: {  	[smem:$0x3FC6] =	sst s2  }
0x8f: {  	_ = 	snop  }
0x90: {  	s2 =	sld [smem:$0x3FC9]  }
0x91: {  	s18 =	sld [smem:$0x3FC8];
	(tm) =	ssettm $0x1  }
0x92: {  	s4 =	sld [smem:$0x3FFB];
	_ =	sdelay $0x3  }
0x93: {  	_ =	strace s4  }
0x94: {  	s4 =	sld [smem:$0x3FFC];
	_ =	sdelay $0x3  }
0x95: {  	_ =	strace s4  }
0x96: {  	s4 =	sld [smem:$0x3FFD];
	_ =	sdelay $0x3  }
0x97: {  	_ =	strace s4  }
0x98: {  	_ =	strace $0x8FFFFFFF  }
0x99: {  	s19 =	sld [smem:$0x3FDB];
	_ =	sdelay $0x1  }
0x9a: {  	s5 =	simm.s32 $_scs_section_size  }
0x9b: {  	s6 =	simm.s32 $_size__tile_overlayer_lowered;
	s7 =	simm.s32 $_tile_overlayer_lowered  }
0x9c: {  	s22 =	simm.s32 $0x1BFF;
	s21 =	sshll.u32 s7, $0x1;
	s4 =	sadd.s32 s5, s19  }
0x9d: {  	s8 =	simm.s32 $0x0;
	s20 =	sshll.u32 s6, $0x1;
	s6 =	sadd.s32 s21, s4  }
0x9e: {  	[timem:s8], [sflag:s22] =	dma.local [hbm:s6], s20  }
0x9f: {  	_ =	swait.ge [sflag:s22], s20  }
0xa0: {  	s5 =	ssub.s32 $0x0, s20;
	[sflag:s22] =	ssyncset.done $0x0  }
0xa1: {  	[sflag:s22] =	ssyncadd.s32 s5;
	_ =	sdelay $0x1  }
0xa2: {  	s23 =	simm.s32 $0x1B8B  }
0xa3: {  	_ =	swait.ge [sflag:s23], $0x1  }
0xa4: {  	[sflag:s23] =	ssyncset.done $0x0  }
0xa5: {  	s25 =	simm.s32 $0x1B8E;
	s24 =	sld [smem:$0x3FFE];
	[sflag:s23] =	ssyncadd.s32 $0xFFFFFFFF  }
0xa6: {  	s26 =	simm.s32 $execute0_lowered;
	[smem:$0x3FD2] =	sst s25  }
0xa7: {  	s6 =	sshll.u32 s26, $0x1;
	_ =	strace $0x80000046;
	[dreg:$0x1] =	wrdreg $0xFFFFFFFF  }
0xa8: {  	s28 =	simm.s32 $_size_execute0_lowered;
	s4 =	sadd.s32 s4, s6;
	[dreg:$0x0] =	wrdreg $0x0  }
0xa9: {  	s6 =	sshll.u32 s28, $0x1;
	[dreg:$0x2] =	wrdreg s4  }
0xaa: {  	[dreg:$0x3] =	wrdreg s6  }
0xab: {  	[dreg:$0x4] =	wrdreg $0xC0  }
0xac: {  	_ =	task [dreg:s8], $0x5FFFF  }
0xad: {  	[dreg:$0x1] =	wrdreg $0xFFFFFFFF  }
0xae: {  	[dreg:$0x0] =	wrdreg $0x60  }
0xaf: {  	[dreg:$0x2] =	wrdreg s2  }
0xb0: {  	[dreg:$0x3] =	wrdreg s18  }
0xb1: {  	[dreg:$0x4] =	wrdreg s24  }
0xb2: {  	[dreg:$0x5] =	wrdreg $0x9  }
0xb3: {  	_ =	task.clear_ibuf [dreg:s8], $0x6FFFF;
	_ =	strace $0x90000046  }
0xb4: {  	s29 =	simm.s32 $0x9;
	_ =	strace $0x80000048  }
0xb5: {  	_ =	swait.ge [sflag:s29], $0x1  }
0xb6: {  	[sflag:s29] =	ssyncadd.s32 $0xFFFFFFFF  }
0xb7: {  	_ =	strace $0x90000048  }
0xb8: {  	_ =	sfence  }
0xb9: {  	s30 =	sld [smem:$0x0];
	_ =	sdelay $0x2  }
0xba: {  	s31 =	sshll.u32 s1, $0xD;
	s1 =	sshrl.u32 s1, $0x2  }
0xbb: {  	s3 =	sand.u32 $0x4000, s31;
	s1 =	sadd.s32 s1, s30  }
0xbc: {  	s0 =	sor.u32 s3, s0;
	s1 =	sshll.u32 s1, $0x11  }
0xbd: {  	s0 =	sor.u32 s1, s0  }
0xbe: {  	s0 =	sadd.s32 $0x8F2B, s0  }
0xbf: {  	[sflag:s0] =	ssyncadd.remote.s32 $0x1  }
0xc0: {  	_ =	sfence.sel $0xFFFF  }
0xc1: {  	[dreg:$0x0] =	wrdreg $0xFFFFFFFF;
	(pc) =	sbr.abs _section_cstart, $3  }
0xc2: {  	[dreg:$0x1] =	wrdreg $0xFFFFFFFF  }
0xc3: {  	_ =	task.clear_ibuf [dreg:s8], $0x2FFFF;
	_ =	strace $0x9FFFFFFF  }
0xc4: {  	(tm) =	ssettm $0x7FFFFFFF  }
0xc5: {  	_ =	shalt  }
tec
execute0_lowered:
.L_overlay_start_1:
0x0: {  	(tag) =	ssettag $0x1  }
0x1: {  	s0 =	rddreg [dreg:$0x0]  }
0x2: {  	s2 =	rddreg [dreg:$0x1];
	s1 =	srdreg.scid  }
0x3: {  	s12 =	stileid.u32;
	s5 =	rddreg [dreg:$0x2]  }
0x4: {  	s3 =	simm.s32 $0x0;
	s1 =	sand.u32 $0x1, s1;
	s4 =	sshll.u32 s12, $0x1  }
0x5: {  	[smem:$0x7FF] =	sst s3;
	s22 =	smul.u32 $0x68, s12;
	s4 =	sor.u32 s1, s4  }
0x6: {  	s5 =	sadd.s32 $0x400, s5;
	s6 =	ssub.s32 $0x2, s1;
	s4 =	smul.u32 $0x34, s4  }
0x7: {  	_ =	strace $0x80000047;
	s1 =	smul.u32 $0x34, s1;
	s7 =	sshrl.u32 s6, $0x1  }
0x8: {  	s11 =	ssub.s32 s6, s7;
	s14 =	sshrl.u32 s4, $0x6;
	s15 =	sand.u32 $0x38, s4  }
0x9: {  	s8 =	sshll.u32 s4, $0x3;
	s9 =	sshrl.u32 s4, $0x2;
	s21 =	sadd.s32 $0x30, s4  }
0xa: {  	s24 =	sshll.u32 s4, $0x7;
	s11 =	smax.u32 s11, $0x1;
	s9 =	sand.u32 $0x70, s9  }
0xb: {  	s10 =	smul.u32 $0x61C000, s14;
	s16 =	sshrl.u32 s15, $0x3;
	s17 =	sand.u32 $0x3000, s8  }
0xc: {  	s23 =	sshll.u32 s21, $0x3;
	s7 =	sshrl.u32 s21, $0x2;
	s25 =	sand.u32 $0x200, s24  }
0xd: {  	s14 =	simm.s32 $0x400;
	s21 =	simm.s32 $0x1A700;
	s24 =	simm.s32 $0x4  }
0xe: {  	s18 =	sadd.s32 s0, s9;
	s19 =	smul.u32 $0xC3800, s16;
	s12 =	sand.u32 $0x7000, s23  }
0xf: {  	s13 =	sand.u32 $0x70, s7;
	s7 =	sadd.s32 s1, s22;
	s16 =	simm.s32 $0x5  }
0x10: {  	s22 =	simm.s32 $0x1B700;
	s23 =	simm.s32 $0x3;
	s20 =	sadd.s32 s17, s18  }
0x11: {  	s0 =	sadd.s32 s0, s13;
	s28 =	sshll.u32 s7, $0x8;
	s13 =	simm.s32 $0x80  }
0x12: {  	s18 =	simm.s32 $0xC380;
	[dreg:$0x4] =	wrdreg s20;
	s9 =	sadd.s32 s10, s19  }
0x13: {  	s0 =	sadd.s32 s12, s0;
	s19 =	simm.s32 $0x1;
	s20 =	simm.s32 $0x2  }
0x14: {  	s26 =	sor.u32 s25, s9;
	[dreg:$0x5] =	wrdreg s0;
	s9 =	sand.u32 $0xFC000, s28  }
0x15: {  	s25 =	simm.s32 $0x0;
	s29 =	sadd.s32 $0x61C00, s26;
	s30 =	ssub.s32 $0x200, s9  }
0x16: {  	s1 =	sshrl.u32 s26, $0x3;
	s0 =	sshrl.u32 s29, $0x3;
	s31 =	sshra.s32 s30, $0x2  }
0x17: {  	s9 =	sadd.s32 s2, s1;
	s10 =	sadd.s32 s2, s0;
	s12 =	sadd.s32 $0x18700, s31  }
.LBB2_1:
0x18: {  	s0 =	rddreg [dreg:$0x4];
	s1 =	simm.s32 $0x18700  }
0x19: {  	[tilespmem:s1], [sflag:$0x5] =	stream.strided.gather [hbm4b:s0+s13], $0x1000, s14, s13, $0x38;
	[tilespmem:$0x1C700] =	vst v63  }
0x1a: {  	_ =	swait.ge [sflag:s16], $0x1000  }
0x1b: {  	[sflag:s16] =	ssyncset.done $0x0  }
0x1c: {  	s31 =	simm.s32 $0x19700;
	s30 =	rddreg [dreg:$0x5];
	[sflag:s16] =	ssyncadd.s32 $0xFFFFF000  }
0x1d: {  	[tilespmem:s31], [sflag:$0x5] =	stream.strided.gather [hbm4b:s30+s13], $0x1000, s14, s13, $0x38;
	[tilespmem:$0x1C700] =	vst v63  }
0x1e: {  	_ =	swait.ge [sflag:s16], $0x1000  }
0x1f: {  	[sflag:s16] =	ssyncset.done $0x0  }
0x20: {  	[sflag:s16] =	ssyncadd.s32 $0xFFFFF000  }
0x21: {  	[tilespmem:s3], [sflag:$0x1] =	stream.strided.gather [hbm4b:s9+s13], $0xC380, s14, s13, $0x38;
	[tilespmem:$0x1C700] =	vst v63  }
0x22: {  	s26 =	smov.u32 s7;
	s28 =	simm.s32 $0x0  }
0x23: {  	[tilespmem:s18], [sflag:$0x2] =	stream.strided.gather [hbm4b:s10+s13], $0xC380, s14, s13, $0x38;
	[tilespmem:$0x1C700] =	vst v63  }
.LBB2_2:
0x24: {  	p0 =	seq.s32 s28, $0x0  }
0x25: {  	s1 =	sshll.u32 s26, $0x6;
	s0 =	simm.s32 @!p0 $0x3  }
0x26: {  	s29 =	sand.u32 $0x3FFFF000, s1;
	_ =	swait.ge @!p0 [sflag:s0], $0x1000  }
0x27: {  	s15 =	sadd.s32 s29, s12;
	[sflag:s0] =	ssyncset.done @!p0 $0x0  }
0x28: {  	v0 =	vmov s15;
	[sflag:s0] =	ssyncadd.s32 @!p0 $0xFFFFF000  }
0x29: {  	s31 =	sshll.u32 s28, $0x1;
	_ =	swait.ge [sflag:s19], $0xC380  }
0x2a: {  	s30 =	sadd.s32 s4, s31;
	[sflag:s19] =	ssyncset.done $0x0  }
0x2b: {  	s1 =	simm.s32 $0x0;
	s0 =	sshrl.u32 s30, $0x6;
	[sflag:s19] =	ssyncadd.s32 $0xFFFF3C80  }
.LBB2_3:
0x2c: {  	s15 =	sshra.s32 s1, $0x2  }
0x2d: {  	v1 =	vld.idx.msk [tilespmem:v0+s15+$0xFFFFFF80 ss:$0x1], $0xffff;
	_ =	sdelay $0x4  }
0x2e: {  	vm0 =	vlt.s32 v1, $0xC380;
	_ =	sdelay $0x5  }
0x2f: {  	v1 =	vld.idx.msk [tilespmem:v1+s3+$0x0], vm0;
	_ =	sdelay $0x4  }
0x30: {  	[tilespmem:s15+$0x1A700] =	vst v1  }
0x31: {  	v1 =	vld.idx.msk [tilespmem:v0+s15+$0xFFFFFF90 ss:$0x1], $0xffff;
	_ =	sdelay $0x4  }
0x32: {  	vm13 =	vlt.s32 v1, $0xC380;
	_ =	sdelay $0x5  }
0x33: {  	v1 =	vld.idx.msk [tilespmem:v1+s3+$0x0], vm13;
	_ =	sdelay $0x4  }
0x34: {  	[tilespmem:s15+$0x1A710] =	vst v1  }
0x35: {  	v1 =	vld.idx.msk [tilespmem:v0+s15+$0xFFFFFFA0 ss:$0x1], $0xffff;
	_ =	sdelay $0x4  }
0x36: {  	vm14 =	vlt.s32 v1, $0xC380;
	_ =	sdelay $0x5  }
0x37: {  	v1 =	vld.idx.msk [tilespmem:v1+s3+$0x0], vm14;
	_ =	sdelay $0x4  }
0x38: {  	[tilespmem:s15+$0x1A720] =	vst v1  }
0x39: {  	v1 =	vld.idx.msk [tilespmem:v0+s15+$0xFFFFFFB0 ss:$0x1], $0xffff;
	_ =	sdelay $0x4  }
0x3a: {  	vm15 =	vlt.s32 v1, $0xC380;
	_ =	sdelay $0x5  }
0x3b: {  	v1 =	vld.idx.msk [tilespmem:v1+s3+$0x0], vm15;
	_ =	sdelay $0x4  }
0x3c: {  	[tilespmem:s15+$0x1A730] =	vst v1  }
0x3d: {  	v1 =	vld.idx.msk [tilespmem:v0+s15+$0xFFFFFFC0 ss:$0x1], $0xffff;
	_ =	sdelay $0x4  }
0x3e: {  	vm4 =	vlt.s32 v1, $0xC380;
	_ =	sdelay $0x5  }
0x3f: {  	v1 =	vld.idx.msk [tilespmem:v1+s3+$0x0], vm4;
	_ =	sdelay $0x4  }
0x40: {  	[tilespmem:s15+$0x1A740] =	vst v1  }
0x41: {  	v1 =	vld.idx.msk [tilespmem:v0+s15+$0xFFFFFFD0 ss:$0x1], $0xffff;
	_ =	sdelay $0x4  }
0x42: {  	vm5 =	vlt.s32 v1, $0xC380;
	_ =	sdelay $0x5  }
0x43: {  	v1 =	vld.idx.msk [tilespmem:v1+s3+$0x0], vm5;
	_ =	sdelay $0x4  }
0x44: {  	[tilespmem:s15+$0x1A750] =	vst v1  }
0x45: {  	v1 =	vld.idx.msk [tilespmem:v0+s15+$0xFFFFFFE0 ss:$0x1], $0xffff;
	_ =	sdelay $0x4  }
0x46: {  	vm6 =	vlt.s32 v1, $0xC380;
	_ =	sdelay $0x5  }
0x47: {  	v1 =	vld.idx.msk [tilespmem:v1+s3+$0x0], vm6;
	_ =	sdelay $0x4  }
0x48: {  	[tilespmem:s15+$0x1A760] =	vst v1  }
0x49: {  	v1 =	vld.idx.msk [tilespmem:v0+s15+$0xFFFFFFF0 ss:$0x1], $0xffff;
	_ =	sdelay $0x4  }
0x4a: {  	vm7 =	vlt.s32 v1, $0xC380;
	_ =	sdelay $0x5  }
0x4b: {  	v1 =	vld.idx.msk [tilespmem:v1+s3+$0x0], vm7;
	_ =	sdelay $0x4  }
0x4c: {  	[tilespmem:s15+$0x1A770] =	vst v1  }
0x4d: {  	v1 =	vld.idx.msk [tilespmem:v0+s15+$0x0 ss:$0x1], $0xffff;
	_ =	sdelay $0x4  }
0x4e: {  	vm8 =	vlt.s32 v1, $0xC380;
	_ =	sdelay $0x5  }
0x4f: {  	v1 =	vld.idx.msk [tilespmem:v1+s3+$0x0], vm8;
	_ =	sdelay $0x4  }
0x50: {  	[tilespmem:s15+$0x1A780] =	vst v1  }
0x51: {  	v1 =	vld.idx.msk [tilespmem:v0+s15+$0x10 ss:$0x1], $0xffff;
	_ =	sdelay $0x4  }
0x52: {  	vm9 =	vlt.s32 v1, $0xC380;
	_ =	sdelay $0x5  }
0x53: {  	v1 =	vld.idx.msk [tilespmem:v1+s3+$0x0], vm9;
	_ =	sdelay $0x4  }
0x54: {  	[tilespmem:s15+$0x1A790] =	vst v1  }
0x55: {  	v1 =	vld.idx.msk [tilespmem:v0+s15+$0x20 ss:$0x1], $0xffff;
	_ =	sdelay $0x4  }
0x56: {  	vm10 =	vlt.s32 v1, $0xC380;
	_ =	sdelay $0x5  }
0x57: {  	v1 =	vld.idx.msk [tilespmem:v1+s3+$0x0], vm10;
	_ =	sdelay $0x4  }
0x58: {  	[tilespmem:s15+$0x1A7A0] =	vst v1  }
0x59: {  	v1 =	vld.idx.msk [tilespmem:v0+s15+$0x30 ss:$0x1], $0xffff;
	_ =	sdelay $0x4  }
0x5a: {  	vm11 =	vlt.s32 v1, $0xC380;
	_ =	sdelay $0x5  }
0x5b: {  	v1 =	vld.idx.msk [tilespmem:v1+s3+$0x0], vm11;
	_ =	sdelay $0x4  }
0x5c: {  	[tilespmem:s15+$0x1A7B0] =	vst v1  }
0x5d: {  	v1 =	vld.idx.msk [tilespmem:v0+s15+$0x40 ss:$0x1], $0xffff;
	_ =	sdelay $0x4  }
0x5e: {  	vm12 =	vlt.s32 v1, $0xC380;
	_ =	sdelay $0x5  }
0x5f: {  	v1 =	vld.idx.msk [tilespmem:v1+s3+$0x0], vm12;
	_ =	sdelay $0x4  }
0x60: {  	[tilespmem:s15+$0x1A7C0] =	vst v1  }
0x61: {  	v1 =	vld.idx.msk [tilespmem:v0+s15+$0x50 ss:$0x1], $0xffff;
	_ =	sdelay $0x4  }
0x62: {  	vm13 =	vlt.s32 v1, $0xC380;
	_ =	sdelay $0x5  }
0x63: {  	v1 =	vld.idx.msk [tilespmem:v1+s3+$0x0], vm13;
	_ =	sdelay $0x4  }
0x64: {  	[tilespmem:s15+$0x1A7D0] =	vst v1  }
0x65: {  	v1 =	vld.idx.msk [tilespmem:v0+s15+$0x60 ss:$0x1], $0xffff;
	_ =	sdelay $0x4  }
0x66: {  	vm14 =	vlt.s32 v1, $0xC380;
	_ =	sdelay $0x5  }
0x67: {  	v1 =	vld.idx.msk [tilespmem:v1+s3+$0x0], vm14;
	_ =	sdelay $0x4  }
0x68: {  	[tilespmem:s15+$0x1A7E0] =	vst v1  }
0x69: {  	v1 =	vld.idx.msk [tilespmem:v0+s15+$0x70 ss:$0x1], $0xffff;
	_ =	sdelay $0x4  }
0x6a: {  	vm15 =	vlt.s32 v1, $0xC380;
	_ =	sdelay $0x5  }
0x6b: {  	p1 =	sne.s32 s1, $0x3C00;
	v1 =	vld.idx.msk [tilespmem:v1+s3+$0x0], vm15  }
.Ltmp0:
0x6c: {  	_ = 	snop;
	(pc) =	sbr.rel @p1 .LBB2_3-.Ltmp0, $2  }
0x6d: {  	_ =	sdelay $0x2  }
0x6e: {  	s1 =	sadd.s32 $0x400, s1;
	[tilespmem:s15+$0x1A7F0] =	vst v1  }
0x6f: {  	s1 =	sshrl.u32 s30, $0x3  }
0x70: {  	s0 =	smul.u32 $0x61C000, s0;
	s1 =	sand.u32 $0x7, s1  }
0x71: {  	s29 =	sor.u32 $0x1, s30;
	s1 =	smul.u32 $0xC3800, s1  }
0x72: {  	s15 =	sshll.u32 s29, $0x7  }
0x73: {  	s0 =	sadd.s32 s0, s1;
	s1 =	sand.u32 $0x380, s15  }
0x74: {  	s15 =	sor.u32 s1, s0  }
0x75: {  	s15 =	sshrl.u32 s15, $0x3  }
0x76: {  	s31 =	simm.s32 $0x0;
	s15 =	sadd.s32 s2, s15  }
0x77: {  	[tilespmem:s31], [sflag:$0x1] =	stream.strided.gather [hbm4b:s15+s13], $0xC380, s14, s13, $0x38;
	[tilespmem:$0x1C700] =	vst v63  }
0x78: {  	_ =	swait.ge [sflag:s20], $0xC380  }
0x79: {  	[sflag:s20] =	ssyncset.done $0x0  }
0x7a: {  	[sflag:s20] =	ssyncadd.s32 $0xFFFF3C80  }
.LBB2_5:
0x7b: {  	s15 =	sshra.s32 s31, $0x2  }
0x7c: {  	v1 =	vld.idx.msk [tilespmem:v0+s15+$0xFFFFFF80 ss:$0x1], $0xffff;
	_ =	sdelay $0x4  }
0x7d: {  	vm0 =	vgt.s32 v1, $0xC37F  }
0x7e: {  	v1 =	vadd.s32 $0xFFFF3C80, v1;
	_ =	sdelay $0x3  }
0x7f: {  	v2 =	vld [tilespmem:s15+$0x1A700]  }
0x80: {  	v1 =	vld.idx.msk [tilespmem:v1+s18+$0x0], vm0;
	_ =	sdelay $0x4  }
0x81: {  	v1 =	vsel vm0, v1, v2  }
0x82: {  	[tilespmem:s15+$0x1A700] =	vst v1  }
0x83: {  	v1 =	vld.idx.msk [tilespmem:v0+s15+$0xFFFFFF90 ss:$0x1], $0xffff;
	_ =	sdelay $0x4  }
0x84: {  	vm13 =	vgt.s32 v1, $0xC37F  }
0x85: {  	v1 =	vadd.s32 $0xFFFF3C80, v1;
	_ =	sdelay $0x3  }
0x86: {  	v2 =	vld [tilespmem:s15+$0x1A710]  }
0x87: {  	v1 =	vld.idx.msk [tilespmem:v1+s18+$0x0], vm13;
	_ =	sdelay $0x4  }
0x88: {  	v1 =	vsel vm13, v1, v2  }
0x89: {  	[tilespmem:s15+$0x1A710] =	vst v1  }
0x8a: {  	v1 =	vld.idx.msk [tilespmem:v0+s15+$0xFFFFFFA0 ss:$0x1], $0xffff;
	_ =	sdelay $0x4  }
0x8b: {  	vm14 =	vgt.s32 v1, $0xC37F  }
0x8c: {  	v1 =	vadd.s32 $0xFFFF3C80, v1;
	_ =	sdelay $0x3  }
0x8d: {  	v2 =	vld [tilespmem:s15+$0x1A720]  }
0x8e: {  	v1 =	vld.idx.msk [tilespmem:v1+s18+$0x0], vm14;
	_ =	sdelay $0x4  }
0x8f: {  	v1 =	vsel vm14, v1, v2  }
0x90: {  	[tilespmem:s15+$0x1A720] =	vst v1  }
0x91: {  	v1 =	vld.idx.msk [tilespmem:v0+s15+$0xFFFFFFB0 ss:$0x1], $0xffff;
	_ =	sdelay $0x4  }
0x92: {  	vm15 =	vgt.s32 v1, $0xC37F  }
0x93: {  	v1 =	vadd.s32 $0xFFFF3C80, v1;
	_ =	sdelay $0x3  }
0x94: {  	v2 =	vld [tilespmem:s15+$0x1A730]  }
0x95: {  	v1 =	vld.idx.msk [tilespmem:v1+s18+$0x0], vm15;
	_ =	sdelay $0x4  }
0x96: {  	v1 =	vsel vm15, v1, v2  }
0x97: {  	[tilespmem:s15+$0x1A730] =	vst v1  }
0x98: {  	v1 =	vld.idx.msk [tilespmem:v0+s15+$0xFFFFFFC0 ss:$0x1], $0xffff;
	_ =	sdelay $0x4  }
0x99: {  	vm4 =	vgt.s32 v1, $0xC37F  }
0x9a: {  	v1 =	vadd.s32 $0xFFFF3C80, v1;
	_ =	sdelay $0x3  }
0x9b: {  	v2 =	vld [tilespmem:s15+$0x1A740]  }
0x9c: {  	v1 =	vld.idx.msk [tilespmem:v1+s18+$0x0], vm4;
	_ =	sdelay $0x4  }
0x9d: {  	v1 =	vsel vm4, v1, v2  }
0x9e: {  	[tilespmem:s15+$0x1A740] =	vst v1  }
0x9f: {  	v1 =	vld.idx.msk [tilespmem:v0+s15+$0xFFFFFFD0 ss:$0x1], $0xffff;
	_ =	sdelay $0x4  }
0xa0: {  	vm5 =	vgt.s32 v1, $0xC37F  }
0xa1: {  	v1 =	vadd.s32 $0xFFFF3C80, v1;
	_ =	sdelay $0x3  }
0xa2: {  	v2 =	vld [tilespmem:s15+$0x1A750]  }
0xa3: {  	v1 =	vld.idx.msk [tilespmem:v1+s18+$0x0], vm5;
	_ =	sdelay $0x4  }
0xa4: {  	v1 =	vsel vm5, v1, v2  }
0xa5: {  	[tilespmem:s15+$0x1A750] =	vst v1  }
0xa6: {  	v1 =	vld.idx.msk [tilespmem:v0+s15+$0xFFFFFFE0 ss:$0x1], $0xffff;
	_ =	sdelay $0x4  }
0xa7: {  	vm6 =	vgt.s32 v1, $0xC37F  }
0xa8: {  	v1 =	vadd.s32 $0xFFFF3C80, v1;
	_ =	sdelay $0x3  }
0xa9: {  	v2 =	vld [tilespmem:s15+$0x1A760]  }
0xaa: {  	v1 =	vld.idx.msk [tilespmem:v1+s18+$0x0], vm6;
	_ =	sdelay $0x4  }
0xab: {  	v1 =	vsel vm6, v1, v2  }
0xac: {  	[tilespmem:s15+$0x1A760] =	vst v1  }
0xad: {  	v1 =	vld.idx.msk [tilespmem:v0+s15+$0xFFFFFFF0 ss:$0x1], $0xffff;
	_ =	sdelay $0x4  }
0xae: {  	vm7 =	vgt.s32 v1, $0xC37F  }
0xaf: {  	v1 =	vadd.s32 $0xFFFF3C80, v1;
	_ =	sdelay $0x3  }
0xb0: {  	v2 =	vld [tilespmem:s15+$0x1A770]  }
0xb1: {  	v1 =	vld.idx.msk [tilespmem:v1+s18+$0x0], vm7;
	_ =	sdelay $0x4  }
0xb2: {  	v1 =	vsel vm7, v1, v2  }
0xb3: {  	[tilespmem:s15+$0x1A770] =	vst v1  }
0xb4: {  	v1 =	vld.idx.msk [tilespmem:v0+s15+$0x0 ss:$0x1], $0xffff;
	_ =	sdelay $0x4  }
0xb5: {  	vm8 =	vgt.s32 v1, $0xC37F  }
0xb6: {  	v1 =	vadd.s32 $0xFFFF3C80, v1;
	_ =	sdelay $0x3  }
0xb7: {  	v2 =	vld [tilespmem:s15+$0x1A780]  }
0xb8: {  	v1 =	vld.idx.msk [tilespmem:v1+s18+$0x0], vm8;
	_ =	sdelay $0x4  }
0xb9: {  	v1 =	vsel vm8, v1, v2  }
0xba: {  	[tilespmem:s15+$0x1A780] =	vst v1  }
0xbb: {  	v1 =	vld.idx.msk [tilespmem:v0+s15+$0x10 ss:$0x1], $0xffff;
	_ =	sdelay $0x4  }
0xbc: {  	vm9 =	vgt.s32 v1, $0xC37F  }
0xbd: {  	v1 =	vadd.s32 $0xFFFF3C80, v1;
	_ =	sdelay $0x3  }
0xbe: {  	v2 =	vld [tilespmem:s15+$0x1A790]  }
0xbf: {  	v1 =	vld.idx.msk [tilespmem:v1+s18+$0x0], vm9;
	_ =	sdelay $0x4  }
0xc0: {  	v1 =	vsel vm9, v1, v2  }
0xc1: {  	[tilespmem:s15+$0x1A790] =	vst v1  }
0xc2: {  	v1 =	vld.idx.msk [tilespmem:v0+s15+$0x20 ss:$0x1], $0xffff;
	_ =	sdelay $0x4  }
0xc3: {  	vm10 =	vgt.s32 v1, $0xC37F  }
0xc4: {  	v1 =	vadd.s32 $0xFFFF3C80, v1;
	_ =	sdelay $0x3  }
0xc5: {  	v2 =	vld [tilespmem:s15+$0x1A7A0]  }
0xc6: {  	v1 =	vld.idx.msk [tilespmem:v1+s18+$0x0], vm10;
	_ =	sdelay $0x4  }
0xc7: {  	v1 =	vsel vm10, v1, v2  }
0xc8: {  	[tilespmem:s15+$0x1A7A0] =	vst v1  }
0xc9: {  	v1 =	vld.idx.msk [tilespmem:v0+s15+$0x30 ss:$0x1], $0xffff;
	_ =	sdelay $0x4  }
0xca: {  	vm11 =	vgt.s32 v1, $0xC37F  }
0xcb: {  	v1 =	vadd.s32 $0xFFFF3C80, v1;
	_ =	sdelay $0x3  }
0xcc: {  	v2 =	vld [tilespmem:s15+$0x1A7B0]  }
0xcd: {  	v1 =	vld.idx.msk [tilespmem:v1+s18+$0x0], vm11;
	_ =	sdelay $0x4  }
0xce: {  	v1 =	vsel vm11, v1, v2  }
0xcf: {  	[tilespmem:s15+$0x1A7B0] =	vst v1  }
0xd0: {  	v1 =	vld.idx.msk [tilespmem:v0+s15+$0x40 ss:$0x1], $0xffff;
	_ =	sdelay $0x4  }
0xd1: {  	vm12 =	vgt.s32 v1, $0xC37F  }
0xd2: {  	v1 =	vadd.s32 $0xFFFF3C80, v1;
	_ =	sdelay $0x3  }
0xd3: {  	v2 =	vld [tilespmem:s15+$0x1A7C0]  }
0xd4: {  	v1 =	vld.idx.msk [tilespmem:v1+s18+$0x0], vm12;
	_ =	sdelay $0x4  }
0xd5: {  	v1 =	vsel vm12, v1, v2  }
0xd6: {  	[tilespmem:s15+$0x1A7C0] =	vst v1  }
0xd7: {  	v1 =	vld.idx.msk [tilespmem:v0+s15+$0x50 ss:$0x1], $0xffff;
	_ =	sdelay $0x4  }
0xd8: {  	vm13 =	vgt.s32 v1, $0xC37F  }
0xd9: {  	v1 =	vadd.s32 $0xFFFF3C80, v1;
	_ =	sdelay $0x3  }
0xda: {  	v2 =	vld [tilespmem:s15+$0x1A7D0]  }
0xdb: {  	v1 =	vld.idx.msk [tilespmem:v1+s18+$0x0], vm13;
	_ =	sdelay $0x4  }
0xdc: {  	v1 =	vsel vm13, v1, v2  }
0xdd: {  	[tilespmem:s15+$0x1A7D0] =	vst v1  }
0xde: {  	v1 =	vld.idx.msk [tilespmem:v0+s15+$0x60 ss:$0x1], $0xffff;
	_ =	sdelay $0x4  }
0xdf: {  	vm14 =	vgt.s32 v1, $0xC37F  }
0xe0: {  	v1 =	vadd.s32 $0xFFFF3C80, v1;
	_ =	sdelay $0x3  }
0xe1: {  	v2 =	vld [tilespmem:s15+$0x1A7E0]  }
0xe2: {  	v1 =	vld.idx.msk [tilespmem:v1+s18+$0x0], vm14;
	_ =	sdelay $0x4  }
0xe3: {  	v1 =	vsel vm14, v1, v2  }
0xe4: {  	[tilespmem:s15+$0x1A7E0] =	vst v1  }
0xe5: {  	v1 =	vld.idx.msk [tilespmem:v0+s15+$0x70 ss:$0x1], $0xffff;
	_ =	sdelay $0x4  }
0xe6: {  	vm15 =	vgt.s32 v1, $0xC37F  }
0xe7: {  	v1 =	vadd.s32 $0xFFFF3C80, v1;
	_ =	sdelay $0x3  }
0xe8: {  	v2 =	vld [tilespmem:s15+$0x1A7F0]  }
0xe9: {  	v1 =	vld.idx.msk [tilespmem:v1+s18+$0x0], vm15  }
0xea: {  	p1 =	sne.s32 s31, $0x3C00  }
.Ltmp1:
0xeb: {  	_ = 	snop;
	(pc) =	sbr.rel @p1 .LBB2_5-.Ltmp1, $3  }
0xec: {  	_ =	sdelay $0x1  }
0xed: {  	v1 =	vsel vm15, v1, v2  }
0xee: {  	s31 =	sadd.s32 $0x400, s31;
	[tilespmem:s15+$0x1A7F0] =	vst v1  }
0xef: {  	s0 =	sadd.s32 s1, s0  }
0xf0: {  	s0 =	sadd.s32 $0x61C00, s0  }
0xf1: {  	s0 =	sshrl.u32 s0, $0x3  }
0xf2: {  	s15 =	sshll.u32 s30, $0x4;
	s0 =	sadd.s32 s2, s0  }
0xf3: {  	[tilespmem:s18], [sflag:$0x2] =	stream.strided.gather [hbm4b:s0+s13], $0xC380, s14, s13, $0x38;
	[tilespmem:$0x1C700] =	vst v63  }
0xf4: {  	s17 =	sshll.u32 s30, $0x9;
	s0 =	sand.u32 $0x60, s15  }
0xf5: {  	s31 =	sand.u32 $0xFFFF000, s17;
	s0 =	sadd.s32 s5, s0  }
0xf6: {  	s0 =	sadd.s32 s31, s0  }
0xf7: {  	[hbm4b:s0+s13] =	stream.strided.scatter [tilespmem:s21], [sflag:$0x3], $0x1000, s14, s13, $0x38;
	[tilespmem:$0x1C700] =	vst v63  }
0xf8: {  	s0 =	simm.s32 @!p0 $0x4  }
0xf9: {  	_ =	swait.ge @!p0 [sflag:s0], $0x1000  }
0xfa: {  	[sflag:s0] =	ssyncset.done @!p0 $0x0  }
0xfb: {  	[sflag:s0] =	ssyncadd.s32 @!p0 $0xFFFFF000  }
0xfc: {  	_ =	swait.ge [sflag:s19], $0xC380  }
0xfd: {  	[sflag:s19] =	ssyncset.done $0x0  }
0xfe: {  	s0 =	simm.s32 $0x0;
	[sflag:s19] =	ssyncadd.s32 $0xFFFF3C80  }
.LBB2_7:
0xff: {  	s1 =	sshra.s32 s0, $0x2  }
0x100: {  	v1 =	vld.idx.msk [tilespmem:v0+s1+$0xFFFFFF80 ss:$0x1], $0xffff;
	_ =	sdelay $0x4  }
0x101: {  	vm0 =	vlt.s32 v1, $0xC380;
	_ =	sdelay $0x5  }
0x102: {  	v1 =	vld.idx.msk [tilespmem:v1+s3+$0x0], vm0;
	_ =	sdelay $0x4  }
0x103: {  	[tilespmem:s1+$0x1B700] =	vst v1  }
0x104: {  	v1 =	vld.idx.msk [tilespmem:v0+s1+$0xFFFFFF90 ss:$0x1], $0xffff;
	_ =	sdelay $0x4  }
0x105: {  	vm13 =	vlt.s32 v1, $0xC380;
	_ =	sdelay $0x5  }
0x106: {  	v1 =	vld.idx.msk [tilespmem:v1+s3+$0x0], vm13;
	_ =	sdelay $0x4  }
0x107: {  	[tilespmem:s1+$0x1B710] =	vst v1  }
0x108: {  	v1 =	vld.idx.msk [tilespmem:v0+s1+$0xFFFFFFA0 ss:$0x1], $0xffff;
	_ =	sdelay $0x4  }
0x109: {  	vm14 =	vlt.s32 v1, $0xC380;
	_ =	sdelay $0x5  }
0x10a: {  	v1 =	vld.idx.msk [tilespmem:v1+s3+$0x0], vm14;
	_ =	sdelay $0x4  }
0x10b: {  	[tilespmem:s1+$0x1B720] =	vst v1  }
0x10c: {  	v1 =	vld.idx.msk [tilespmem:v0+s1+$0xFFFFFFB0 ss:$0x1], $0xffff;
	_ =	sdelay $0x4  }
0x10d: {  	vm15 =	vlt.s32 v1, $0xC380;
	_ =	sdelay $0x5  }
0x10e: {  	v1 =	vld.idx.msk [tilespmem:v1+s3+$0x0], vm15;
	_ =	sdelay $0x4  }
0x10f: {  	[tilespmem:s1+$0x1B730] =	vst v1  }
0x110: {  	v1 =	vld.idx.msk [tilespmem:v0+s1+$0xFFFFFFC0 ss:$0x1], $0xffff;
	_ =	sdelay $0x4  }
0x111: {  	vm4 =	vlt.s32 v1, $0xC380;
	_ =	sdelay $0x5  }
0x112: {  	v1 =	vld.idx.msk [tilespmem:v1+s3+$0x0], vm4;
	_ =	sdelay $0x4  }
0x113: {  	[tilespmem:s1+$0x1B740] =	vst v1  }
0x114: {  	v1 =	vld.idx.msk [tilespmem:v0+s1+$0xFFFFFFD0 ss:$0x1], $0xffff;
	_ =	sdelay $0x4  }
0x115: {  	vm5 =	vlt.s32 v1, $0xC380;
	_ =	sdelay $0x5  }
0x116: {  	v1 =	vld.idx.msk [tilespmem:v1+s3+$0x0], vm5;
	_ =	sdelay $0x4  }
0x117: {  	[tilespmem:s1+$0x1B750] =	vst v1  }
0x118: {  	v1 =	vld.idx.msk [tilespmem:v0+s1+$0xFFFFFFE0 ss:$0x1], $0xffff;
	_ =	sdelay $0x4  }
0x119: {  	vm6 =	vlt.s32 v1, $0xC380;
	_ =	sdelay $0x5  }
0x11a: {  	v1 =	vld.idx.msk [tilespmem:v1+s3+$0x0], vm6;
	_ =	sdelay $0x4  }
0x11b: {  	[tilespmem:s1+$0x1B760] =	vst v1  }
0x11c: {  	v1 =	vld.idx.msk [tilespmem:v0+s1+$0xFFFFFFF0 ss:$0x1], $0xffff;
	_ =	sdelay $0x4  }
0x11d: {  	vm7 =	vlt.s32 v1, $0xC380;
	_ =	sdelay $0x5  }
0x11e: {  	v1 =	vld.idx.msk [tilespmem:v1+s3+$0x0], vm7;
	_ =	sdelay $0x4  }
0x11f: {  	[tilespmem:s1+$0x1B770] =	vst v1  }
0x120: {  	v1 =	vld.idx.msk [tilespmem:v0+s1+$0x0 ss:$0x1], $0xffff;
	_ =	sdelay $0x4  }
0x121: {  	vm8 =	vlt.s32 v1, $0xC380;
	_ =	sdelay $0x5  }
0x122: {  	v1 =	vld.idx.msk [tilespmem:v1+s3+$0x0], vm8;
	_ =	sdelay $0x4  }
0x123: {  	[tilespmem:s1+$0x1B780] =	vst v1  }
0x124: {  	v1 =	vld.idx.msk [tilespmem:v0+s1+$0x10 ss:$0x1], $0xffff;
	_ =	sdelay $0x4  }
0x125: {  	vm9 =	vlt.s32 v1, $0xC380;
	_ =	sdelay $0x5  }
0x126: {  	v1 =	vld.idx.msk [tilespmem:v1+s3+$0x0], vm9;
	_ =	sdelay $0x4  }
0x127: {  	[tilespmem:s1+$0x1B790] =	vst v1  }
0x128: {  	v1 =	vld.idx.msk [tilespmem:v0+s1+$0x20 ss:$0x1], $0xffff;
	_ =	sdelay $0x4  }
0x129: {  	vm10 =	vlt.s32 v1, $0xC380;
	_ =	sdelay $0x5  }
0x12a: {  	v1 =	vld.idx.msk [tilespmem:v1+s3+$0x0], vm10;
	_ =	sdelay $0x4  }
0x12b: {  	[tilespmem:s1+$0x1B7A0] =	vst v1  }
0x12c: {  	v1 =	vld.idx.msk [tilespmem:v0+s1+$0x30 ss:$0x1], $0xffff;
	_ =	sdelay $0x4  }
0x12d: {  	vm11 =	vlt.s32 v1, $0xC380;
	_ =	sdelay $0x5  }
0x12e: {  	v1 =	vld.idx.msk [tilespmem:v1+s3+$0x0], vm11;
	_ =	sdelay $0x4  }
0x12f: {  	[tilespmem:s1+$0x1B7B0] =	vst v1  }
0x130: {  	v1 =	vld.idx.msk [tilespmem:v0+s1+$0x40 ss:$0x1], $0xffff;
	_ =	sdelay $0x4  }
0x131: {  	vm12 =	vlt.s32 v1, $0xC380;
	_ =	sdelay $0x5  }
0x132: {  	v1 =	vld.idx.msk [tilespmem:v1+s3+$0x0], vm12;
	_ =	sdelay $0x4  }
0x133: {  	[tilespmem:s1+$0x1B7C0] =	vst v1  }
0x134: {  	v1 =	vld.idx.msk [tilespmem:v0+s1+$0x50 ss:$0x1], $0xffff;
	_ =	sdelay $0x4  }
0x135: {  	vm13 =	vlt.s32 v1, $0xC380;
	_ =	sdelay $0x5  }
0x136: {  	v1 =	vld.idx.msk [tilespmem:v1+s3+$0x0], vm13;
	_ =	sdelay $0x4  }
0x137: {  	[tilespmem:s1+$0x1B7D0] =	vst v1  }
0x138: {  	v1 =	vld.idx.msk [tilespmem:v0+s1+$0x60 ss:$0x1], $0xffff;
	_ =	sdelay $0x4  }
0x139: {  	vm14 =	vlt.s32 v1, $0xC380;
	_ =	sdelay $0x5  }
0x13a: {  	v1 =	vld.idx.msk [tilespmem:v1+s3+$0x0], vm14;
	_ =	sdelay $0x4  }
0x13b: {  	[tilespmem:s1+$0x1B7E0] =	vst v1  }
0x13c: {  	v1 =	vld.idx.msk [tilespmem:v0+s1+$0x70 ss:$0x1], $0xffff;
	_ =	sdelay $0x4  }
0x13d: {  	vm15 =	vlt.s32 v1, $0xC380;
	_ =	sdelay $0x5  }
0x13e: {  	p0 =	sne.s32 s0, $0x3C00;
	v1 =	vld.idx.msk [tilespmem:v1+s3+$0x0], vm15  }
.Ltmp2:
0x13f: {  	_ = 	snop;
	(pc) =	sbr.rel @p0 .LBB2_7-.Ltmp2, $2  }
0x140: {  	_ =	sdelay $0x2  }
0x141: {  	s0 =	sadd.s32 $0x400, s0;
	[tilespmem:s1+$0x1B7F0] =	vst v1  }
0x142: {  	s0 =	sadd.s32 $0x2, s30;
	p0 =	seq.s32 s28, $0x19  }
0x143: {  	s1 =	sshrl.u32 @!p0 s0, $0x6;
	s15 =	sshrl.u32 @!p0 s0, $0x3  }
0x144: {  	s30 =	smul.u32 @!p0 $0x61C000, s1;
	s1 =	sand.u32 @!p0 $0x7, s15  }
0x145: {  	s1 =	smul.u32 @!p0 $0xC3800, s1  }
0x146: {  	s0 =	sshll.u32 @!p0 s0, $0x7  }
0x147: {  	s0 =	sand.u32 @!p0 $0x300, s0;
	s15 =	sadd.s32 @!p0 s30, s1  }
0x148: {  	s15 =	sor.u32 @!p0 s0, s15  }
0x149: {  	s17 =	simm.s32 @!p0 $0x80;
	s15 =	sshrl.u32 @!p0 s15, $0x3  }
0x14a: {  	s6 =	simm.s32 @!p0 $0x400;
	s8 =	simm.s32 @!p0 $0x0;
	s15 =	sadd.s32 @!p0 s2, s15  }
0x14b: {  	[tilespmem:s8], [sflag:$0x1] =	stream.strided.gather @!p0 [hbm4b:s15+s17], $0xC380, s6, s17, $0x38;
	[tilespmem:$0x1C700] =	vst v63  }
0x14c: {  	_ =	swait.ge [sflag:s20], $0xC380  }
0x14d: {  	[sflag:s20] =	ssyncset.done $0x0  }
0x14e: {  	s15 =	simm.s32 $0x0;
	[sflag:s20] =	ssyncadd.s32 $0xFFFF3C80  }
.LBB2_9:
0x14f: {  	s17 =	sshra.s32 s15, $0x2  }
0x150: {  	v1 =	vld.idx.msk [tilespmem:v0+s17+$0xFFFFFF80 ss:$0x1], $0xffff;
	_ =	sdelay $0x4  }
0x151: {  	vm0 =	vgt.s32 v1, $0xC37F  }
0x152: {  	v1 =	vadd.s32 $0xFFFF3C80, v1;
	_ =	sdelay $0x3  }
0x153: {  	v2 =	vld [tilespmem:s17+$0x1B700]  }
0x154: {  	v1 =	vld.idx.msk [tilespmem:v1+s18+$0x0], vm0;
	_ =	sdelay $0x4  }
0x155: {  	v1 =	vsel vm0, v1, v2  }
0x156: {  	[tilespmem:s17+$0x1B700] =	vst v1  }
0x157: {  	v1 =	vld.idx.msk [tilespmem:v0+s17+$0xFFFFFF90 ss:$0x1], $0xffff;
	_ =	sdelay $0x4  }
0x158: {  	vm13 =	vgt.s32 v1, $0xC37F  }
0x159: {  	v1 =	vadd.s32 $0xFFFF3C80, v1;
	_ =	sdelay $0x3  }
0x15a: {  	v2 =	vld [tilespmem:s17+$0x1B710]  }
0x15b: {  	v1 =	vld.idx.msk [tilespmem:v1+s18+$0x0], vm13;
	_ =	sdelay $0x4  }
0x15c: {  	v1 =	vsel vm13, v1, v2  }
0x15d: {  	[tilespmem:s17+$0x1B710] =	vst v1  }
0x15e: {  	v1 =	vld.idx.msk [tilespmem:v0+s17+$0xFFFFFFA0 ss:$0x1], $0xffff;
	_ =	sdelay $0x4  }
0x15f: {  	vm14 =	vgt.s32 v1, $0xC37F  }
0x160: {  	v1 =	vadd.s32 $0xFFFF3C80, v1;
	_ =	sdelay $0x3  }
0x161: {  	v2 =	vld [tilespmem:s17+$0x1B720]  }
0x162: {  	v1 =	vld.idx.msk [tilespmem:v1+s18+$0x0], vm14;
	_ =	sdelay $0x4  }
0x163: {  	v1 =	vsel vm14, v1, v2  }
0x164: {  	[tilespmem:s17+$0x1B720] =	vst v1  }
0x165: {  	v1 =	vld.idx.msk [tilespmem:v0+s17+$0xFFFFFFB0 ss:$0x1], $0xffff;
	_ =	sdelay $0x4  }
0x166: {  	vm15 =	vgt.s32 v1, $0xC37F  }
0x167: {  	v1 =	vadd.s32 $0xFFFF3C80, v1;
	_ =	sdelay $0x3  }
0x168: {  	v2 =	vld [tilespmem:s17+$0x1B730]  }
0x169: {  	v1 =	vld.idx.msk [tilespmem:v1+s18+$0x0], vm15;
	_ =	sdelay $0x4  }
0x16a: {  	v1 =	vsel vm15, v1, v2  }
0x16b: {  	[tilespmem:s17+$0x1B730] =	vst v1  }
0x16c: {  	v1 =	vld.idx.msk [tilespmem:v0+s17+$0xFFFFFFC0 ss:$0x1], $0xffff;
	_ =	sdelay $0x4  }
0x16d: {  	vm4 =	vgt.s32 v1, $0xC37F  }
0x16e: {  	v1 =	vadd.s32 $0xFFFF3C80, v1;
	_ =	sdelay $0x3  }
0x16f: {  	v2 =	vld [tilespmem:s17+$0x1B740]  }
0x170: {  	v1 =	vld.idx.msk [tilespmem:v1+s18+$0x0], vm4;
	_ =	sdelay $0x4  }
0x171: {  	v1 =	vsel vm4, v1, v2  }
0x172: {  	[tilespmem:s17+$0x1B740] =	vst v1  }
0x173: {  	v1 =	vld.idx.msk [tilespmem:v0+s17+$0xFFFFFFD0 ss:$0x1], $0xffff;
	_ =	sdelay $0x4  }
0x174: {  	vm5 =	vgt.s32 v1, $0xC37F  }
0x175: {  	v1 =	vadd.s32 $0xFFFF3C80, v1;
	_ =	sdelay $0x3  }
0x176: {  	v2 =	vld [tilespmem:s17+$0x1B750]  }
0x177: {  	v1 =	vld.idx.msk [tilespmem:v1+s18+$0x0], vm5;
	_ =	sdelay $0x4  }
0x178: {  	v1 =	vsel vm5, v1, v2  }
0x179: {  	[tilespmem:s17+$0x1B750] =	vst v1  }
0x17a: {  	v1 =	vld.idx.msk [tilespmem:v0+s17+$0xFFFFFFE0 ss:$0x1], $0xffff;
	_ =	sdelay $0x4  }
0x17b: {  	vm6 =	vgt.s32 v1, $0xC37F  }
0x17c: {  	v1 =	vadd.s32 $0xFFFF3C80, v1;
	_ =	sdelay $0x3  }
0x17d: {  	v2 =	vld [tilespmem:s17+$0x1B760]  }
0x17e: {  	v1 =	vld.idx.msk [tilespmem:v1+s18+$0x0], vm6;
	_ =	sdelay $0x4  }
0x17f: {  	v1 =	vsel vm6, v1, v2  }
0x180: {  	[tilespmem:s17+$0x1B760] =	vst v1  }
0x181: {  	v1 =	vld.idx.msk [tilespmem:v0+s17+$0xFFFFFFF0 ss:$0x1], $0xffff;
	_ =	sdelay $0x4  }
0x182: {  	vm7 =	vgt.s32 v1, $0xC37F  }
0x183: {  	v1 =	vadd.s32 $0xFFFF3C80, v1;
	_ =	sdelay $0x3  }
0x184: {  	v2 =	vld [tilespmem:s17+$0x1B770]  }
0x185: {  	v1 =	vld.idx.msk [tilespmem:v1+s18+$0x0], vm7;
	_ =	sdelay $0x4  }
0x186: {  	v1 =	vsel vm7, v1, v2  }
0x187: {  	[tilespmem:s17+$0x1B770] =	vst v1  }
0x188: {  	v1 =	vld.idx.msk [tilespmem:v0+s17+$0x0 ss:$0x1], $0xffff;
	_ =	sdelay $0x4  }
0x189: {  	vm8 =	vgt.s32 v1, $0xC37F  }
0x18a: {  	v1 =	vadd.s32 $0xFFFF3C80, v1;
	_ =	sdelay $0x3  }
0x18b: {  	v2 =	vld [tilespmem:s17+$0x1B780]  }
0x18c: {  	v1 =	vld.idx.msk [tilespmem:v1+s18+$0x0], vm8;
	_ =	sdelay $0x4  }
0x18d: {  	v1 =	vsel vm8, v1, v2  }
0x18e: {  	[tilespmem:s17+$0x1B780] =	vst v1  }
0x18f: {  	v1 =	vld.idx.msk [tilespmem:v0+s17+$0x10 ss:$0x1], $0xffff;
	_ =	sdelay $0x4  }
0x190: {  	vm9 =	vgt.s32 v1, $0xC37F  }
0x191: {  	v1 =	vadd.s32 $0xFFFF3C80, v1;
	_ =	sdelay $0x3  }
0x192: {  	v2 =	vld [tilespmem:s17+$0x1B790]  }
0x193: {  	v1 =	vld.idx.msk [tilespmem:v1+s18+$0x0], vm9;
	_ =	sdelay $0x4  }
0x194: {  	v1 =	vsel vm9, v1, v2  }
0x195: {  	[tilespmem:s17+$0x1B790] =	vst v1  }
0x196: {  	v1 =	vld.idx.msk [tilespmem:v0+s17+$0x20 ss:$0x1], $0xffff;
	_ =	sdelay $0x4  }
0x197: {  	vm10 =	vgt.s32 v1, $0xC37F  }
0x198: {  	v1 =	vadd.s32 $0xFFFF3C80, v1;
	_ =	sdelay $0x3  }
0x199: {  	v2 =	vld [tilespmem:s17+$0x1B7A0]  }
0x19a: {  	v1 =	vld.idx.msk [tilespmem:v1+s18+$0x0], vm10;
	_ =	sdelay $0x4  }
0x19b: {  	v1 =	vsel vm10, v1, v2  }
0x19c: {  	[tilespmem:s17+$0x1B7A0] =	vst v1  }
0x19d: {  	v1 =	vld.idx.msk [tilespmem:v0+s17+$0x30 ss:$0x1], $0xffff;
	_ =	sdelay $0x4  }
0x19e: {  	vm11 =	vgt.s32 v1, $0xC37F  }
0x19f: {  	v1 =	vadd.s32 $0xFFFF3C80, v1;
	_ =	sdelay $0x3  }
0x1a0: {  	v2 =	vld [tilespmem:s17+$0x1B7B0]  }
0x1a1: {  	v1 =	vld.idx.msk [tilespmem:v1+s18+$0x0], vm11;
	_ =	sdelay $0x4  }
0x1a2: {  	v1 =	vsel vm11, v1, v2  }
0x1a3: {  	[tilespmem:s17+$0x1B7B0] =	vst v1  }
0x1a4: {  	v1 =	vld.idx.msk [tilespmem:v0+s17+$0x40 ss:$0x1], $0xffff;
	_ =	sdelay $0x4  }
0x1a5: {  	vm12 =	vgt.s32 v1, $0xC37F  }
0x1a6: {  	v1 =	vadd.s32 $0xFFFF3C80, v1;
	_ =	sdelay $0x3  }
0x1a7: {  	v2 =	vld [tilespmem:s17+$0x1B7C0]  }
0x1a8: {  	v1 =	vld.idx.msk [tilespmem:v1+s18+$0x0], vm12;
	_ =	sdelay $0x4  }
0x1a9: {  	v1 =	vsel vm12, v1, v2  }
0x1aa: {  	[tilespmem:s17+$0x1B7C0] =	vst v1  }
0x1ab: {  	v1 =	vld.idx.msk [tilespmem:v0+s17+$0x50 ss:$0x1], $0xffff;
	_ =	sdelay $0x4  }
0x1ac: {  	vm13 =	vgt.s32 v1, $0xC37F  }
0x1ad: {  	v1 =	vadd.s32 $0xFFFF3C80, v1;
	_ =	sdelay $0x3  }
0x1ae: {  	v2 =	vld [tilespmem:s17+$0x1B7D0]  }
0x1af: {  	v1 =	vld.idx.msk [tilespmem:v1+s18+$0x0], vm13;
	_ =	sdelay $0x4  }
0x1b0: {  	v1 =	vsel vm13, v1, v2  }
0x1b1: {  	[tilespmem:s17+$0x1B7D0] =	vst v1  }
0x1b2: {  	v1 =	vld.idx.msk [tilespmem:v0+s17+$0x60 ss:$0x1], $0xffff;
	_ =	sdelay $0x4  }
0x1b3: {  	vm14 =	vgt.s32 v1, $0xC37F  }
0x1b4: {  	v1 =	vadd.s32 $0xFFFF3C80, v1;
	_ =	sdelay $0x3  }
0x1b5: {  	v2 =	vld [tilespmem:s17+$0x1B7E0]  }
0x1b6: {  	v1 =	vld.idx.msk [tilespmem:v1+s18+$0x0], vm14;
	_ =	sdelay $0x4  }
0x1b7: {  	v1 =	vsel vm14, v1, v2  }
0x1b8: {  	[tilespmem:s17+$0x1B7E0] =	vst v1  }
0x1b9: {  	v1 =	vld.idx.msk [tilespmem:v0+s17+$0x70 ss:$0x1], $0xffff;
	_ =	sdelay $0x4  }
0x1ba: {  	vm15 =	vgt.s32 v1, $0xC37F  }
0x1bb: {  	v1 =	vadd.s32 $0xFFFF3C80, v1;
	_ =	sdelay $0x3  }
0x1bc: {  	v2 =	vld [tilespmem:s17+$0x1B7F0]  }
0x1bd: {  	v1 =	vld.idx.msk [tilespmem:v1+s18+$0x0], vm15  }
0x1be: {  	p1 =	sne.s32 s15, $0x3C00  }
.Ltmp3:
0x1bf: {  	_ = 	snop;
	(pc) =	sbr.rel @p1 .LBB2_9-.Ltmp3, $3  }
0x1c0: {  	_ =	sdelay $0x1  }
0x1c1: {  	v1 =	vsel vm15, v1, v2  }
0x1c2: {  	s15 =	sadd.s32 $0x400, s15;
	[tilespmem:s17+$0x1B7F0] =	vst v1  }
0x1c3: {  	s0 =	sor.u32 @!p0 s0, s30  }
0x1c4: {  	s0 =	sadd.s32 @!p0 s1, s0  }
0x1c5: {  	s0 =	sadd.s32 @!p0 $0x61C00, s0  }
0x1c6: {  	s6 =	simm.s32 @!p0 $0x400;
	s8 =	simm.s32 @!p0 $0xC380;
	s0 =	sshrl.u32 @!p0 s0, $0x3  }
0x1c7: {  	s28 =	sadd.s32 $0x1, s28;
	s1 =	simm.s32 @!p0 $0x80;
	s0 =	sadd.s32 @!p0 s2, s0  }
0x1c8: {  	[tilespmem:s8], [sflag:$0x2] =	stream.strided.gather @!p0 [hbm4b:s0+s1], $0xC380, s6, s1, $0x38;
	[tilespmem:$0x1C700] =	vst v63  }
0x1c9: {  	p0 =	sne.s32 s28, $0x1A  }
.Ltmp4:
0x1ca: {  	_ = 	snop;
	(pc) =	sbr.rel @p0 .LBB2_2-.Ltmp4, $4  }
0x1cb: {  	s30 =	sshll.u32 s29, $0x4  }
0x1cc: {  	s31 =	sadd.s32 s5, s31;
	s0 =	sand.u32 $0x70, s30  }
0x1cd: {  	s26 =	sadd.s32 $0x2, s26;
	s0 =	sadd.s32 s0, s31  }
0x1ce: {  	[hbm4b:s0+s13] =	stream.strided.scatter [tilespmem:s22], [sflag:$0x4], $0x1000, s14, s13, $0x38;
	[tilespmem:$0x1C700] =	vst v63  }
0x1cf: {  	s25 =	sadd.s32 $0x1, s25  }
0x1d0: {  	_ =	swait.ge [sflag:s23], $0x1000;
	p0 =	sne.s32 s25, s11  }
.Ltmp5:
0x1d1: {  	[sflag:s23] =	ssyncset.done $0x0;
	(pc) =	sbr.rel @p0 .LBB2_1-.Ltmp5, $4  }
0x1d2: {  	[sflag:s23] =	ssyncadd.s32 $0xFFFFF000  }
0x1d3: {  	_ =	swait.ge [sflag:s24], $0x1000  }
0x1d4: {  	[sflag:s24] =	ssyncset.done $0x0  }
0x1d5: {  	[sflag:s24] =	ssyncadd.s32 $0xFFFFF000  }
0x1d6: {  	_ =	sfence.sel $0x180000  }
0x1d7: {  	[bflag:$0x0] =	sbarrier.arrive $0xFFFF  }
0x1d8: {  	_ =	strace $0x90000047  }
0x1d9: {  	s0 =	stileid.u32;
	[bflag:$0x2] =	sbarrier.arrive $0xFFFF  }
0x1da: {  	p0 =	sne.s32 s0, $0x0;
	s0 =	rddreg [dreg:$0x3]  }
0x1db: {  	s0 =	sadd.s32 @!p0 $0x100000, s0  }
0x1dc: {  	[sflag:s0] =	ssyncadd.tile.s32 @!p0 $0x1;
	_ =	shalt  }
.Lfunc_end2:
_tile_overlayer_lowered:
.L_overlay_start_2:
0x1dd: {  	(tag) =	ssettag $0x2  }
0x1de: {  	s0 =	rddreg [dreg:$0x0];
	s2 =	stileid.u32  }
0x1df: {  	s1 =	rddreg [dreg:$0x1];
	p0 =	sne.s32 s2, $0x0  }
0x1e0: {  	s3 =	rddreg [dreg:$0x2];
	[bflag:$0x3] =	sbarrier.arrive $0xFFFF;
	s2 =	simm.s32 @!p0 $0x1C05  }
0x1e1: {  	[timem:s3], [sflag:s2] =	dma.local @!p0 [hbm:s0], s1  }
0x1e2: {  	s0 =	simm.s32 @!p0 $0x5  }
0x1e3: {  	_ =	swait.ge @!p0 [sflag:s0], s1  }
0x1e4: {  	s1 =	ssub.s32 @!p0 $0x0, s1;
	[sflag:s0] =	ssyncset.done @!p0 $0x0  }
0x1e5: {  	[sflag:s0] =	ssyncadd.s32 @!p0 s1  }
0x1e6: {  	[bflag:$0x3] =	sbarrier.arrive $0xFFFF  }
0x1e7: {  	_ =	shalt  }

</sc_bundles>
